<compile_context>
chip_gen: v7x
topology: tpu7x:2x2x1
jax: 0.10.2.dev20260603
libtpu: 0.0.44.dev20260713+nightly
codegen_flags: <defaults>
</compile_context>

<pallas_src>
import functools

import jax
import jax.numpy as jnp
from jax import lax
from jax.experimental import pallas as pl
from jax.experimental.pallas import tpu as pltpu
from jax.experimental.pallas import tpu_sc as plsc

N = 10000
E = 320000
D = 128

NC = 2
NS = 16
NW = NC * NS
EDGES_PER_TILE = E // NW
CHUNK = 125
NCHUNK = 80
IB = 8
NB = NCHUNK // IB
NPAD = 10240
ROWS_PER_TILE = NPAD // NS

_sc_scatter_cache = []


def _get_sc_scatter():
    if _sc_scatter_cache:
        return _sc_scatter_cache[0]

    mesh = plsc.VectorSubcoreMesh(core_axis_name="c", subcore_axis_name="s")

    @functools.partial(
        pl.kernel,
        mesh=mesh,
        out_type=jax.ShapeDtypeStruct((NC, NPAD, D), jnp.float32),
        scratch_types=[
            pltpu.VMEM((2, IB, CHUNK), jnp.int32),
            pltpu.VMEM((2, IB, CHUNK), jnp.int32),
            pltpu.VMEM((CHUNK, D), jnp.float32),
            pltpu.VMEM((CHUNK, D), jnp.float32),
            pltpu.VMEM_SHARED((NPAD, D), jnp.float32),
            pltpu.SemaphoreType.DMA,
            pltpu.SemaphoreType.DMA,
            pltpu.SemaphoreType.DMA,
            pltpu.SemaphoreType.DMA,
            pltpu.SemaphoreType.DMA,
        ],
    )
    def _sc_scatter(row_hbm, col_hbm, feat_hbm, zeros_hbm, partial_hbm,
                    rowb, colb, msg_a, msg_b, agg_sh,
                    isem, gsem_a, gsem_b, ssem_a, ssem_b):
        c = lax.axis_index("c")
        s = lax.axis_index("s")
        wid = s * NC + c
        row_t = row_hbm.at[wid]
        col_t = col_hbm.at[wid]

        msgs = (msg_a, msg_b)
        gsems = (gsem_a, gsem_b)
        ssems = (ssem_a, ssem_b)

        def idx_start(kb, slot):
            pltpu.async_copy(row_t.at[pl.ds(kb * IB, IB)], rowb.at[slot], isem)
            pltpu.async_copy(col_t.at[pl.ds(kb * IB, IB)], colb.at[slot], isem)

        def idx_wait(kb, slot):
            pltpu.make_async_copy(row_t.at[pl.ds(kb * IB, IB)],
                                  rowb.at[slot], isem).wait()
            pltpu.make_async_copy(col_t.at[pl.ds(kb * IB, IB)],
                                  colb.at[slot], isem).wait()

        def gstart(slot, i, bi):
            pltpu.async_copy(feat_hbm.at[colb.at[slot].at[i]], msgs[bi],
                             gsems[bi])

        def gwait(slot, i, bi):
            pltpu.make_async_copy(feat_hbm.at[colb.at[slot].at[i]], msgs[bi],
                                  gsems[bi]).wait()

        def sstart(slot, i, bi):
            pltpu.async_copy(msgs[bi], agg_sh.at[rowb.at[slot].at[i]],
                             ssems[bi], add=True)

        def swait(slot, i, bi):
            pltpu.make_async_copy(msgs[bi], agg_sh.at[rowb.at[slot].at[i]],
                                  ssems[bi]).wait()

        base = s * ROWS_PER_TILE
        pltpu.sync_copy(zeros_hbm, agg_sh.at[pl.ds(base, ROWS_PER_TILE)])

        idx_start(0, 0)
        idx_wait(0, 0)
        gstart(0, 0, 0)
        plsc.subcore_barrier()

        def outer(kb, carry):
            p = lax.rem(kb, 2)
            q = 1 - p
            for i in range(IB):
                bi = i % 2
                bo = 1 - bi
                gwait(p, i, bi)
                sstart(p, i, bi)
                if i == 0:
                    @pl.when(kb > 0)
                    def _():
                        swait(q, IB - 1, bo)
                elif i == 1:
                    swait(p, i - 1, bo)

                    @pl.when(kb + 1 < NB)
                    def _():
                        idx_start(kb + 1, q)
                else:
                    swait(p, i - 1, bo)
                if i + 1 < IB:
                    gstart(p, i + 1, bo)
                else:
                    @pl.when(kb + 1 < NB)
                    def _():
                        idx_wait(kb + 1, q)
                        gstart(q, 0, bo)
            return carry

        lax.fori_loop(0, NB, outer, 0)
        swait((NB - 1) % 2, IB - 1, (IB - 1) % 2)
        plsc.subcore_barrier()

        pltpu.sync_copy(agg_sh.at[pl.ds(base, ROWS_PER_TILE)],
                        partial_hbm.at[c].at[pl.ds(base, ROWS_PER_TILE)])

    _sc_scatter_cache.append(_sc_scatter)
    return _sc_scatter


def _mm_body(x_ref, w_ref, b_ref, o_ref):
    o_ref[...] = (
        jnp.dot(x_ref[...], w_ref[...], preferred_element_type=jnp.float32)
        + b_ref[...]
    )


def _linear(x, W, b):
    m_blk = 1000
    grid = (N // m_blk,)
    return pl.pallas_call(
        _mm_body,
        grid=grid,
        in_specs=[
            pl.BlockSpec((m_blk, D), lambda i: (i, 0)),
            pl.BlockSpec((D, D), lambda i: (0, 0)),
            pl.BlockSpec((1, D), lambda i: (0, 0)),
        ],
        out_specs=pl.BlockSpec((m_blk, D), lambda i: (i, 0)),
        out_shape=jax.ShapeDtypeStruct((N, D), jnp.float32),
    )(x, W, b.reshape(1, D))


def _add_body(o_ref, p0_ref, p1_ref, f_ref):
    f_ref[...] = o_ref[...] + p0_ref[0] + p1_ref[0]


def _final_add(out, partial):
    m_blk = 1000
    grid = (N // m_blk,)
    spec = pl.BlockSpec((m_blk, D), lambda i: (i, 0))
    return pl.pallas_call(
        _add_body,
        grid=grid,
        in_specs=[
            spec,
            pl.BlockSpec((1, m_blk, D), lambda i: (0, i, 0)),
            pl.BlockSpec((1, m_blk, D), lambda i: (1, i, 0)),
        ],
        out_specs=spec,
        out_shape=jax.ShapeDtypeStruct((N, D), jnp.float32),
    )(out, partial, partial)


def kernel(x, edge_index, W, b):
    out = _linear(x, W, b)
    row = edge_index[0].reshape(NW, NCHUNK, CHUNK)
    col = edge_index[1].reshape(NW, NCHUNK, CHUNK)
    zeros = jnp.zeros((ROWS_PER_TILE, D), jnp.float32)
    partial = _get_sc_scatter()(row, col, out, zeros)
    return _final_add(out, partial)

# --- scband reference (transcript-rebuilt; emitter-appended) ---
"""Pipeline reference for scband-ginconv-56573309223702 (READ-ONLY COPY).

The authoritative reference and input builder live on the scoring server;
editing this copy changes nothing except your own understanding.
"""

import jax, jax.numpy as jnp
import numpy as np

N_NODES = 10000
N_EDGES = 320000
D_FEAT = 128


def setup_inputs(seed: int = 0) -> dict:
    key = jax.random.key(seed)
    k1, k2, k3 = jax.random.split(key, 3)
    x = jax.random.normal(k1, (N_NODES, D_FEAT), dtype=jnp.float32)
    edge_index = jax.random.randint(k2, (2, N_EDGES), 0, N_NODES, dtype=jnp.int32)
    # Learned params of the internal nn module (Linear(128, 128))
    W = jax.random.normal(k3, (D_FEAT, D_FEAT), dtype=jnp.float32) * (1.0 / np.sqrt(D_FEAT))
    b = jnp.zeros((D_FEAT,), dtype=jnp.float32)
    return {"x": x, "edge_index": edge_index, "W": W, "b": b}


def reference(x, edge_index, W, b):
    # GINConv.forward:
    #   row, col = edge_index
    #   out = self.nn(x)                      # Linear transform
    #   out = out + scatter_add(out[col] -> rows)  # sum-aggregate neighbor messages
    row = edge_index[0]
    col = edge_index[1]
    out = x @ W + b                                  # self.nn(x)
    msgs = jnp.take(out, col, axis=0)                # gather source-node features per edge [E, D]
    agg = jnp.zeros_like(out).at[row].add(msgs)      # scatter-add into destination nodes [N, D]
    return out + agg

if __name__ == "__main__":
    import jax
    _d = setup_inputs()
    print(jax.jit(kernel)(*tuple(_d.values())))

</pallas_src>

<mosaic_0001>
#map = affine_map<(d0, d1) -> (0, 0, 0)>
#map1 = affine_map<(d0, d1) -> (0, 0)>
module attributes {stable_mosaic.version = 14 : i64} {
  func.func @_sc_scatter(%arg0: i32, %arg1: i32, %arg2: memref<32x80x125xi32, #tpu.memory_space<hbm>>, %arg3: memref<32x80x125xi32, #tpu.memory_space<hbm>>, %arg4: memref<10000x128xf32, #tpu.memory_space<hbm>>, %arg5: memref<640x128xf32, #tpu.memory_space<hbm>>, %arg6: memref<2x10240x128xf32, #tpu.memory_space<hbm>>, %arg7: memref<2x8x125xi32, #tpu.memory_space<vmem>>, %arg8: memref<2x8x125xi32, #tpu.memory_space<vmem>>, %arg9: memref<125x128xf32, #tpu.memory_space<vmem>>, %arg10: memref<125x128xf32, #tpu.memory_space<vmem>>, %arg11: memref<10240x128xf32, #tpu.memory_space<vmem_shared>>, %arg12: memref<!tpu.dma_semaphore, #tpu.memory_space<semaphore_mem>>, %arg13: memref<!tpu.dma_semaphore, #tpu.memory_space<semaphore_mem>>, %arg14: memref<!tpu.dma_semaphore, #tpu.memory_space<semaphore_mem>>, %arg15: memref<!tpu.dma_semaphore, #tpu.memory_space<semaphore_mem>>, %arg16: memref<!tpu.dma_semaphore, #tpu.memory_space<semaphore_mem>>) attributes {dimension_semantics = [#tpu.dimension_semantics<core_parallel>, #tpu.dimension_semantics<subcore_parallel>], iteration_bounds = array<i64: 2, 16>, scalar_prefetch = 0 : i64, scratch_operands = 10 : i64, tpu.core_type = #tpu.core_type<sc_vector_subcore>, window_params = [{transform_indices = #map}, {transform_indices = #map}, {transform_indices = #map1}, {transform_indices = #map1}, {transform_indices = #map}]} {
    %mul3A = arith.constant 2 : i32
    %mul3A_0 = arith.muli %arg1, %mul3A : i32
    %add3A = arith.addi %mul3A_0, %arg0 : i32
    %mul3A_1 = arith.constant 640 : i32
    %mul3A_2 = arith.muli %arg1, %mul3A_1 : i32
    "tpu.region"() ({
      %run_scoped3A = tpu.sem_alloc : memref<!tpu.dma_semaphore, #tpu.memory_space<semaphore_mem>>
      %dma_start3A_123 = arith.constant 0 : i32
      %dma_start3A_124 = tpu.memref_slice %arg11[%mul3A_2, %dma_start3A_123] : memref<10240x128xf32, #tpu.memory_space<vmem_shared>> -> memref<640x128xf32, #tpu.memory_space<vmem_shared>>
      tpu.enqueue_dma source(%arg5 : memref<640x128xf32, #tpu.memory_space<hbm>>) target(%dma_start3A_124 : memref<640x128xf32, #tpu.memory_space<vmem_shared>>) target_semaphore(%run_scoped3A : memref<!tpu.dma_semaphore, #tpu.memory_space<semaphore_mem>>)
      %dma_wait3A_125 = arith.constant 0 : i32
      %dma_wait3A_126 = tpu.memref_slice %arg11[%mul3A_2, %dma_wait3A_125] : memref<10240x128xf32, #tpu.memory_space<vmem_shared>> -> memref<640x128xf32, #tpu.memory_space<vmem_shared>>
      tpu.wait_dma2 semaphore(%run_scoped3A : memref<!tpu.dma_semaphore, #tpu.memory_space<semaphore_mem>>) src(%arg5 : memref<640x128xf32, #tpu.memory_space<hbm>>) dst(%dma_wait3A_126 : memref<640x128xf32, #tpu.memory_space<vmem_shared>>)
      tpu.yield
    }) : () -> ()
    %dma_start3A = arith.constant 0 : i32
    %dma_start3A_3 = arith.constant 0 : i32
    %dma_start3A_4 = arith.constant 0 : i32
    %dma_start3A_5 = tpu.memref_slice %arg7[%dma_start3A, %dma_start3A_3, %dma_start3A_4] : memref<2x8x125xi32, #tpu.memory_space<vmem>> -> memref<1x8x125xi32, #tpu.memory_space<vmem>>
    %dma_start3A_6 = tpu.memref_squeeze %dma_start3A_5 : memref<1x8x125xi32, #tpu.memory_space<vmem>> -> memref<8x125xi32, #tpu.memory_space<vmem>>
    %dma_start3A_7 = arith.constant 0 : i32
    %dma_start3A_8 = arith.constant 0 : i32
    %dma_start3A_9 = tpu.memref_slice %arg2[%add3A, %dma_start3A_7, %dma_start3A_8] : memref<32x80x125xi32, #tpu.memory_space<hbm>> -> memref<1x80x125xi32, #tpu.memory_space<hbm>>
    %dma_start3A_10 = tpu.memref_squeeze %dma_start3A_9 : memref<1x80x125xi32, #tpu.memory_space<hbm>> -> memref<80x125xi32, #tpu.memory_space<hbm>>
    %dma_start3A_11 = arith.constant 0 : i32
    %dma_start3A_12 = arith.constant 0 : i32
    %dma_start3A_13 = tpu.memref_slice %dma_start3A_10[%dma_start3A_11, %dma_start3A_12] : memref<80x125xi32, #tpu.memory_space<hbm>> -> memref<8x125xi32, #tpu.memory_space<hbm>>
    %dma_start3A_14 = arith.constant 0 : i32
    %dma_start3A_15 = arith.constant 0 : i32
    %dma_start3A_16 = tpu.memref_slice %arg7[%dma_start3A, %dma_start3A_14, %dma_start3A_15] : memref<2x8x125xi32, #tpu.memory_space<vmem>> -> memref<1x8x125xi32, #tpu.memory_space<vmem>>
    %dma_start3A_17 = tpu.memref_squeeze %dma_start3A_16 : memref<1x8x125xi32, #tpu.memory_space<vmem>> -> memref<8x125xi32, #tpu.memory_space<vmem>>
    %dma_start3A_18 = arith.constant 0 : i32
    %dma_start3A_19 = arith.constant 0 : i32
    %dma_start3A_20 = tpu.memref_slice %arg2[%add3A, %dma_start3A_18, %dma_start3A_19] : memref<32x80x125xi32, #tpu.memory_space<hbm>> -> memref<1x80x125xi32, #tpu.memory_space<hbm>>
    %dma_start3A_21 = tpu.memref_squeeze %dma_start3A_20 : memref<1x80x125xi32, #tpu.memory_space<hbm>> -> memref<80x125xi32, #tpu.memory_space<hbm>>
    %dma_start3A_22 = arith.constant 0 : i32
    %dma_start3A_23 = arith.constant 0 : i32
    %dma_start3A_24 = tpu.memref_slice %dma_start3A_21[%dma_start3A_22, %dma_start3A_23] : memref<80x125xi32, #tpu.memory_space<hbm>> -> memref<8x125xi32, #tpu.memory_space<hbm>>
    tpu.enqueue_dma source(%dma_start3A_24 : memref<8x125xi32, #tpu.memory_space<hbm>>) target(%dma_start3A_17 : memref<8x125xi32, #tpu.memory_space<vmem>>) target_semaphore(%arg12 : memref<!tpu.dma_semaphore, #tpu.memory_space<semaphore_mem>>)
    %dma_start3A_25 = arith.constant 0 : i32
    %dma_start3A_26 = arith.constant 0 : i32
    %dma_start3A_27 = arith.constant 0 : i32
    %dma_start3A_28 = tpu.memref_slice %arg8[%dma_start3A_25, %dma_start3A_26, %dma_start3A_27] : memref<2x8x125xi32, #tpu.memory_space<vmem>> -> memref<1x8x125xi32, #tpu.memory_space<vmem>>
    %dma_start3A_29 = tpu.memref_squeeze %dma_start3A_28 : memref<1x8x125xi32, #tpu.memory_space<vmem>> -> memref<8x125xi32, #tpu.memory_space<vmem>>
    %dma_start3A_30 = arith.constant 0 : i32
    %dma_start3A_31 = arith.constant 0 : i32
    %dma_start3A_32 = tpu.memref_slice %arg3[%add3A, %dma_start3A_30, %dma_start3A_31] : memref<32x80x125xi32, #tpu.memory_space<hbm>> -> memref<1x80x125xi32, #tpu.memory_space<hbm>>
    %dma_start3A_33 = tpu.memref_squeeze %dma_start3A_32 : memref<1x80x125xi32, #tpu.memory_space<hbm>> -> memref<80x125xi32, #tpu.memory_space<hbm>>
    %dma_start3A_34 = arith.constant 0 : i32
    %dma_start3A_35 = arith.constant 0 : i32
    %dma_start3A_36 = tpu.memref_slice %dma_start3A_33[%dma_start3A_34, %dma_start3A_35] : memref<80x125xi32, #tpu.memory_space<hbm>> -> memref<8x125xi32, #tpu.memory_space<hbm>>
    %dma_start3A_37 = arith.constant 0 : i32
    %dma_start3A_38 = arith.constant 0 : i32
    %dma_start3A_39 = tpu.memref_slice %arg8[%dma_start3A_25, %dma_start3A_37, %dma_start3A_38] : memref<2x8x125xi32, #tpu.memory_space<vmem>> -> memref<1x8x125xi32, #tpu.memory_space<vmem>>
    %dma_start3A_40 = tpu.memref_squeeze %dma_start3A_39 : memref<1x8x125xi32, #tpu.memory_space<vmem>> -> memref<8x125xi32, #tpu.memory_space<vmem>>
    %dma_start3A_41 = arith.constant 0 : i32
    %dma_start3A_42 = arith.constant 0 : i32
    %dma_start3A_43 = tpu.memref_slice %arg3[%add3A, %dma_start3A_41, %dma_start3A_42] : memref<32x80x125xi32, #tpu.memory_space<hbm>> -> memref<1x80x125xi32, #tpu.memory_space<hbm>>
    %dma_start3A_44 = tpu.memref_squeeze %dma_start3A_43 : memref<1x80x125xi32, #tpu.memory_space<hbm>> -> memref<80x125xi32, #tpu.memory_space<hbm>>
    %dma_start3A_45 = arith.constant 0 : i32
    %dma_start3A_46 = arith.constant 0 : i32
    %dma_start3A_47 = tpu.memref_slice %dma_start3A_44[%dma_start3A_45, %dma_start3A_46] : memref<80x125xi32, #tpu.memory_space<hbm>> -> memref<8x125xi32, #tpu.memory_space<hbm>>
    tpu.enqueue_dma source(%dma_start3A_47 : memref<8x125xi32, #tpu.memory_space<hbm>>) target(%dma_start3A_40 : memref<8x125xi32, #tpu.memory_space<vmem>>) target_semaphore(%arg12 : memref<!tpu.dma_semaphore, #tpu.memory_space<semaphore_mem>>)
    %dma_wait3A = arith.constant 0 : i32
    %dma_wait3A_48 = arith.constant 0 : i32
    %dma_wait3A_49 = arith.constant 0 : i32
    %dma_wait3A_50 = tpu.memref_slice %arg7[%dma_wait3A, %dma_wait3A_48, %dma_wait3A_49] : memref<2x8x125xi32, #tpu.memory_space<vmem>> -> memref<1x8x125xi32, #tpu.memory_space<vmem>>
    %dma_wait3A_51 = tpu.memref_squeeze %dma_wait3A_50 : memref<1x8x125xi32, #tpu.memory_space<vmem>> -> memref<8x125xi32, #tpu.memory_space<vmem>>
    %dma_wait3A_52 = arith.constant 0 : i32
    %dma_wait3A_53 = arith.constant 0 : i32
    %dma_wait3A_54 = tpu.memref_slice %arg2[%add3A, %dma_wait3A_52, %dma_wait3A_53] : memref<32x80x125xi32, #tpu.memory_space<hbm>> -> memref<1x80x125xi32, #tpu.memory_space<hbm>>
    %dma_wait3A_55 = tpu.memref_squeeze %dma_wait3A_54 : memref<1x80x125xi32, #tpu.memory_space<hbm>> -> memref<80x125xi32, #tpu.memory_space<hbm>>
    %dma_wait3A_56 = arith.constant 0 : i32
    %dma_wait3A_57 = arith.constant 0 : i32
    %dma_wait3A_58 = tpu.memref_slice %dma_wait3A_55[%dma_wait3A_56, %dma_wait3A_57] : memref<80x125xi32, #tpu.memory_space<hbm>> -> memref<8x125xi32, #tpu.memory_space<hbm>>
    %dma_wait3A_59 = arith.constant 0 : i32
    %dma_wait3A_60 = arith.constant 0 : i32
    %dma_wait3A_61 = tpu.memref_slice %arg7[%dma_wait3A, %dma_wait3A_59, %dma_wait3A_60] : memref<2x8x125xi32, #tpu.memory_space<vmem>> -> memref<1x8x125xi32, #tpu.memory_space<vmem>>
    %dma_wait3A_62 = tpu.memref_squeeze %dma_wait3A_61 : memref<1x8x125xi32, #tpu.memory_space<vmem>> -> memref<8x125xi32, #tpu.memory_space<vmem>>
    %dma_wait3A_63 = arith.constant 0 : i32
    %dma_wait3A_64 = arith.constant 0 : i32
    %dma_wait3A_65 = tpu.memref_slice %arg2[%add3A, %dma_wait3A_63, %dma_wait3A_64] : memref<32x80x125xi32, #tpu.memory_space<hbm>> -> memref<1x80x125xi32, #tpu.memory_space<hbm>>
    %dma_wait3A_66 = tpu.memref_squeeze %dma_wait3A_65 : memref<1x80x125xi32, #tpu.memory_space<hbm>> -> memref<80x125xi32, #tpu.memory_space<hbm>>
    %dma_wait3A_67 = arith.constant 0 : i32
    %dma_wait3A_68 = arith.constant 0 : i32
    %dma_wait3A_69 = tpu.memref_slice %dma_wait3A_66[%dma_wait3A_67, %dma_wait3A_68] : memref<80x125xi32, #tpu.memory_space<hbm>> -> memref<8x125xi32, #tpu.memory_space<hbm>>
    tpu.wait_dma2 semaphore(%arg12 : memref<!tpu.dma_semaphore, #tpu.memory_space<semaphore_mem>>) src(%dma_wait3A_69 : memref<8x125xi32, #tpu.memory_space<hbm>>) dst(%dma_wait3A_62 : memref<8x125xi32, #tpu.memory_space<vmem>>)
    %dma_wait3A_70 = arith.constant 0 : i32
    %dma_wait3A_71 = arith.constant 0 : i32
    %dma_wait3A_72 = arith.constant 0 : i32
    %dma_wait3A_73 = tpu.memref_slice %arg8[%dma_wait3A_70, %dma_wait3A_71, %dma_wait3A_72] : memref<2x8x125xi32, #tpu.memory_space<vmem>> -> memref<1x8x125xi32, #tpu.memory_space<vmem>>
    %dma_wait3A_74 = tpu.memref_squeeze %dma_wait3A_73 : memref<1x8x125xi32, #tpu.memory_space<vmem>> -> memref<8x125xi32, #tpu.memory_space<vmem>>
    %dma_wait3A_75 = arith.constant 0 : i32
    %dma_wait3A_76 = arith.constant 0 : i32
    %dma_wait3A_77 = tpu.memref_slice %arg3[%add3A, %dma_wait3A_75, %dma_wait3A_76] : memref<32x80x125xi32, #tpu.memory_space<hbm>> -> memref<1x80x125xi32, #tpu.memory_space<hbm>>
    %dma_wait3A_78 = tpu.memref_squeeze %dma_wait3A_77 : memref<1x80x125xi32, #tpu.memory_space<hbm>> -> memref<80x125xi32, #tpu.memory_space<hbm>>
    %dma_wait3A_79 = arith.constant 0 : i32
    %dma_wait3A_80 = arith.constant 0 : i32
    %dma_wait3A_81 = tpu.memref_slice %dma_wait3A_78[%dma_wait3A_79, %dma_wait3A_80] : memref<80x125xi32, #tpu.memory_space<hbm>> -> memref<8x125xi32, #tpu.memory_space<hbm>>
    %dma_wait3A_82 = arith.constant 0 : i32
    %dma_wait3A_83 = arith.constant 0 : i32
    %dma_wait3A_84 = tpu.memref_slice %arg8[%dma_wait3A_70, %dma_wait3A_82, %dma_wait3A_83] : memref<2x8x125xi32, #tpu.memory_space<vmem>> -> memref<1x8x125xi32, #tpu.memory_space<vmem>>
    %dma_wait3A_85 = tpu.memref_squeeze %dma_wait3A_84 : memref<1x8x125xi32, #tpu.memory_space<vmem>> -> memref<8x125xi32, #tpu.memory_space<vmem>>
    %dma_wait3A_86 = arith.constant 0 : i32
    %dma_wait3A_87 = arith.constant 0 : i32
    %dma_wait3A_88 = tpu.memref_slice %arg3[%add3A, %dma_wait3A_86, %dma_wait3A_87] : memref<32x80x125xi32, #tpu.memory_space<hbm>> -> memref<1x80x125xi32, #tpu.memory_space<hbm>>
    %dma_wait3A_89 = tpu.memref_squeeze %dma_wait3A_88 : memref<1x80x125xi32, #tpu.memory_space<hbm>> -> memref<80x125xi32, #tpu.memory_space<hbm>>
    %dma_wait3A_90 = arith.constant 0 : i32
    %dma_wait3A_91 = arith.constant 0 : i32
    %dma_wait3A_92 = tpu.memref_slice %dma_wait3A_89[%dma_wait3A_90, %dma_wait3A_91] : memref<80x125xi32, #tpu.memory_space<hbm>> -> memref<8x125xi32, #tpu.memory_space<hbm>>
    tpu.wait_dma2 semaphore(%arg12 : memref<!tpu.dma_semaphore, #tpu.memory_space<semaphore_mem>>) src(%dma_wait3A_92 : memref<8x125xi32, #tpu.memory_space<hbm>>) dst(%dma_wait3A_85 : memref<8x125xi32, #tpu.memory_space<vmem>>)
    %dma_start3A_93 = arith.constant 0 : i32
    %dma_start3A_94 = arith.constant 0 : i32
    %dma_start3A_95 = arith.constant 0 : i32
    %dma_start3A_96 = arith.constant 0 : i32
    %dma_start3A_97 = tpu.memref_slice %arg8[%dma_start3A_93, %dma_start3A_95, %dma_start3A_96] : memref<2x8x125xi32, #tpu.memory_space<vmem>> -> memref<1x8x125xi32, #tpu.memory_space<vmem>>
    %dma_start3A_98 = tpu.memref_squeeze %dma_start3A_97 : memref<1x8x125xi32, #tpu.memory_space<vmem>> -> memref<8x125xi32, #tpu.memory_space<vmem>>
    %dma_start3A_99 = arith.constant 0 : i32
    %dma_start3A_100 = tpu.memref_slice %dma_start3A_98[%dma_start3A_94, %dma_start3A_99] : memref<8x125xi32, #tpu.memory_space<vmem>> -> memref<1x125xi32, #tpu.memory_space<vmem>>
    %dma_start3A_101 = tpu.memref_squeeze %dma_start3A_100 : memref<1x125xi32, #tpu.memory_space<vmem>> -> memref<125xi32, #tpu.memory_space<vmem>>
    %dma_start3A_102 = arith.constant 0 : i32
    %dma_start3A_103 = arith.constant 0 : i32
    %dma_start3A_104 = tpu.memref_slice %arg4[%dma_start3A_102, %dma_start3A_103] : memref<10000x128xf32, #tpu.memory_space<hbm>> -> memref<10000x128xf32, #tpu.memory_space<hbm>>
    tpu.enqueue_indirect_dma source(%dma_start3A_104 : memref<10000x128xf32, #tpu.memory_space<hbm>>) target(%arg9 : memref<125x128xf32, #tpu.memory_space<vmem>>) offsets(%dma_start3A_101 : memref<125xi32, #tpu.memory_space<vmem>>) semaphore(%arg13 : memref<!tpu.dma_semaphore, #tpu.memory_space<semaphore_mem>>)
    %barrier3A = arith.constant 0 : index
    tpu.barrier barrier_id(%barrier3A)
    %scan3A = arith.constant 0 : i32
    %scan3A_105 = arith.constant 0 : i32
    %scan3A_106 = arith.constant 10 : i32
    %scan3A_107 = arith.addi %scan3A_105, %scan3A_106 : i32
    %scan3A_108 = arith.constant 1 : i32
    scf.for %scan3A_123 = %scan3A_105 to %scan3A_107 step %scan3A_108  : i32 {
      %rem3A = arith.constant 2 : i32
      %rem3A_124 = arith.remsi %scan3A_123, %rem3A : i32
      %sub3A = arith.constant 1 : i32
      %sub3A_125 = arith.subi %sub3A, %rem3A_124 : i32
      %dma_wait3A_126 = arith.constant 0 : i32
      %dma_wait3A_127 = arith.constant 0 : i32
      %dma_wait3A_128 = arith.constant 0 : i32
      %dma_wait3A_129 = tpu.memref_slice %arg8[%rem3A_124, %dma_wait3A_127, %dma_wait3A_128] : memref<2x8x125xi32, #tpu.memory_space<vmem>> -> memref<1x8x125xi32, #tpu.memory_space<vmem>>
      %dma_wait3A_130 = tpu.memref_squeeze %dma_wait3A_129 : memref<1x8x125xi32, #tpu.memory_space<vmem>> -> memref<8x125xi32, #tpu.memory_space<vmem>>
      %dma_wait3A_131 = arith.constant 0 : i32
      %dma_wait3A_132 = tpu.memref_slice %dma_wait3A_130[%dma_wait3A_126, %dma_wait3A_131] : memref<8x125xi32, #tpu.memory_space<vmem>> -> memref<1x125xi32, #tpu.memory_space<vmem>>
      %dma_wait3A_133 = tpu.memref_squeeze %dma_wait3A_132 : memref<1x125xi32, #tpu.memory_space<vmem>> -> memref<125xi32, #tpu.memory_space<vmem>>
      %dma_wait3A_134 = arith.constant 0 : i32
      %dma_wait3A_135 = arith.constant 0 : i32
      %dma_wait3A_136 = tpu.memref_slice %arg4[%dma_wait3A_134, %dma_wait3A_135] : memref<10000x128xf32, #tpu.memory_space<hbm>> -> memref<10000x128xf32, #tpu.memory_space<hbm>>
      tpu.wait_indirect_dma semaphore(%arg13 : memref<!tpu.dma_semaphore, #tpu.memory_space<semaphore_mem>>) src(%dma_wait3A_136 : memref<10000x128xf32, #tpu.memory_space<hbm>>) dst(%arg9 : memref<125x128xf32, #tpu.memory_space<vmem>>)
      %dma_start3A_137 = arith.constant 0 : i32
      %dma_start3A_138 = arith.constant 0 : i32
      %dma_start3A_139 = arith.constant 0 : i32
      %dma_start3A_140 = tpu.memref_slice %arg7[%rem3A_124, %dma_start3A_138, %dma_start3A_139] : memref<2x8x125xi32, #tpu.memory_space<vmem>> -> memref<1x8x125xi32, #tpu.memory_space<vmem>>
      %dma_start3A_141 = tpu.memref_squeeze %dma_start3A_140 : memref<1x8x125xi32, #tpu.memory_space<vmem>> -> memref<8x125xi32, #tpu.memory_space<vmem>>
      %dma_start3A_142 = arith.constant 0 : i32
      %dma_start3A_143 = tpu.memref_slice %dma_start3A_141[%dma_start3A_137, %dma_start3A_142] : memref<8x125xi32, #tpu.memory_space<vmem>> -> memref<1x125xi32, #tpu.memory_space<vmem>>
      %dma_start3A_144 = tpu.memref_squeeze %dma_start3A_143 : memref<1x125xi32, #tpu.memory_space<vmem>> -> memref<125xi32, #tpu.memory_space<vmem>>
      %dma_start3A_145 = arith.constant 0 : i32
      %dma_start3A_146 = arith.constant 0 : i32
      %dma_start3A_147 = tpu.memref_slice %arg11[%dma_start3A_145, %dma_start3A_146] : memref<10240x128xf32, #tpu.memory_space<vmem_shared>> -> memref<10240x128xf32, #tpu.memory_space<vmem_shared>>
      tpu.enqueue_indirect_dma source(%arg9 : memref<125x128xf32, #tpu.memory_space<vmem>>) target(%dma_start3A_147 : memref<10240x128xf32, #tpu.memory_space<vmem_shared>>) offsets(%dma_start3A_144 : memref<125xi32, #tpu.memory_space<vmem>>) semaphore(%arg15 : memref<!tpu.dma_semaphore, #tpu.memory_space<semaphore_mem>>) {add = true}
      %gt3A = arith.constant 0 : i32
      %gt3A_148 = arith.cmpi sgt, %scan3A_123, %gt3A : i32
      %convert_element_type3A = arith.extui %gt3A_148 : i1 to i32
      %cond3A = arith.constant 0 : i32
      %cond3A_149 = arith.cmpi ne, %convert_element_type3A, %cond3A : i32
      scf.if %cond3A_149 {
        %dma_wait3A_471 = arith.constant 7 : i32
        %dma_wait3A_472 = arith.constant 0 : i32
        %dma_wait3A_473 = arith.constant 0 : i32
        %dma_wait3A_474 = tpu.memref_slice %arg7[%sub3A_125, %dma_wait3A_472, %dma_wait3A_473] : memref<2x8x125xi32, #tpu.memory_space<vmem>> -> memref<1x8x125xi32, #tpu.memory_space<vmem>>
        %dma_wait3A_475 = tpu.memref_squeeze %dma_wait3A_474 : memref<1x8x125xi32, #tpu.memory_space<vmem>> -> memref<8x125xi32, #tpu.memory_space<vmem>>
        %dma_wait3A_476 = arith.constant 0 : i32
        %dma_wait3A_477 = tpu.memref_slice %dma_wait3A_475[%dma_wait3A_471, %dma_wait3A_476] : memref<8x125xi32, #tpu.memory_space<vmem>> -> memref<1x125xi32, #tpu.memory_space<vmem>>
        %dma_wait3A_478 = tpu.memref_squeeze %dma_wait3A_477 : memref<1x125xi32, #tpu.memory_space<vmem>> -> memref<125xi32, #tpu.memory_space<vmem>>
        %dma_wait3A_479 = arith.constant 0 : i32
        %dma_wait3A_480 = arith.constant 0 : i32
        %dma_wait3A_481 = tpu.memref_slice %arg11[%dma_wait3A_479, %dma_wait3A_480] : memref<10240x128xf32, #tpu.memory_space<vmem_shared>> -> memref<10240x128xf32, #tpu.memory_space<vmem_shared>>
        tpu.wait_indirect_dma semaphore(%arg16 : memref<!tpu.dma_semaphore, #tpu.memory_space<semaphore_mem>>) src(%arg10 : memref<125x128xf32, #tpu.memory_space<vmem>>) dst(%dma_wait3A_481 : memref<10240x128xf32, #tpu.memory_space<vmem_shared>>)
      } else {
      }
      %dma_start3A_150 = arith.constant 1 : i32
      %dma_start3A_151 = arith.constant 0 : i32
      %dma_start3A_152 = arith.constant 0 : i32
      %dma_start3A_153 = tpu.memref_slice %arg8[%rem3A_124, %dma_start3A_151, %dma_start3A_152] : memref<2x8x125xi32, #tpu.memory_space<vmem>> -> memref<1x8x125xi32, #tpu.memory_space<vmem>>
      %dma_start3A_154 = tpu.memref_squeeze %dma_start3A_153 : memref<1x8x125xi32, #tpu.memory_space<vmem>> -> memref<8x125xi32, #tpu.memory_space<vmem>>
      %dma_start3A_155 = arith.constant 0 : i32
      %dma_start3A_156 = tpu.memref_slice %dma_start3A_154[%dma_start3A_150, %dma_start3A_155] : memref<8x125xi32, #tpu.memory_space<vmem>> -> memref<1x125xi32, #tpu.memory_space<vmem>>
      %dma_start3A_157 = tpu.memref_squeeze %dma_start3A_156 : memref<1x125xi32, #tpu.memory_space<vmem>> -> memref<125xi32, #tpu.memory_space<vmem>>
      %dma_start3A_158 = arith.constant 0 : i32
      %dma_start3A_159 = arith.constant 0 : i32
      %dma_start3A_160 = tpu.memref_slice %arg4[%dma_start3A_158, %dma_start3A_159] : memref<10000x128xf32, #tpu.memory_space<hbm>> -> memref<10000x128xf32, #tpu.memory_space<hbm>>
      tpu.enqueue_indirect_dma source(%dma_start3A_160 : memref<10000x128xf32, #tpu.memory_space<hbm>>) target(%arg10 : memref<125x128xf32, #tpu.memory_space<vmem>>) offsets(%dma_start3A_157 : memref<125xi32, #tpu.memory_space<vmem>>) semaphore(%arg14 : memref<!tpu.dma_semaphore, #tpu.memory_space<semaphore_mem>>)
      %dma_wait3A_161 = arith.constant 1 : i32
      %dma_wait3A_162 = arith.constant 0 : i32
      %dma_wait3A_163 = arith.constant 0 : i32
      %dma_wait3A_164 = tpu.memref_slice %arg8[%rem3A_124, %dma_wait3A_162, %dma_wait3A_163] : memref<2x8x125xi32, #tpu.memory_space<vmem>> -> memref<1x8x125xi32, #tpu.memory_space<vmem>>
      %dma_wait3A_165 = tpu.memref_squeeze %dma_wait3A_164 : memref<1x8x125xi32, #tpu.memory_space<vmem>> -> memref<8x125xi32, #tpu.memory_space<vmem>>
      %dma_wait3A_166 = arith.constant 0 : i32
      %dma_wait3A_167 = tpu.memref_slice %dma_wait3A_165[%dma_wait3A_161, %dma_wait3A_166] : memref<8x125xi32, #tpu.memory_space<vmem>> -> memref<1x125xi32, #tpu.memory_space<vmem>>
      %dma_wait3A_168 = tpu.memref_squeeze %dma_wait3A_167 : memref<1x125xi32, #tpu.memory_space<vmem>> -> memref<125xi32, #tpu.memory_space<vmem>>
      %dma_wait3A_169 = arith.constant 0 : i32
      %dma_wait3A_170 = arith.constant 0 : i32
      %dma_wait3A_171 = tpu.memref_slice %arg4[%dma_wait3A_169, %dma_wait3A_170] : memref<10000x128xf32, #tpu.memory_space<hbm>> -> memref<10000x128xf32, #tpu.memory_space<hbm>>
      tpu.wait_indirect_dma semaphore(%arg14 : memref<!tpu.dma_semaphore, #tpu.memory_space<semaphore_mem>>) src(%dma_wait3A_171 : memref<10000x128xf32, #tpu.memory_space<hbm>>) dst(%arg10 : memref<125x128xf32, #tpu.memory_space<vmem>>)
      %dma_start3A_172 = arith.constant 1 : i32
      %dma_start3A_173 = arith.constant 0 : i32
      %dma_start3A_174 = arith.constant 0 : i32
      %dma_start3A_175 = tpu.memref_slice %arg7[%rem3A_124, %dma_start3A_173, %dma_start3A_174] : memref<2x8x125xi32, #tpu.memory_space<vmem>> -> memref<1x8x125xi32, #tpu.memory_space<vmem>>
      %dma_start3A_176 = tpu.memref_squeeze %dma_start3A_175 : memref<1x8x125xi32, #tpu.memory_space<vmem>> -> memref<8x125xi32, #tpu.memory_space<vmem>>
      %dma_start3A_177 = arith.constant 0 : i32
      %dma_start3A_178 = tpu.memref_slice %dma_start3A_176[%dma_start3A_172, %dma_start3A_177] : memref<8x125xi32, #tpu.memory_space<vmem>> -> memref<1x125xi32, #tpu.memory_space<vmem>>
      %dma_start3A_179 = tpu.memref_squeeze %dma_start3A_178 : memref<1x125xi32, #tpu.memory_space<vmem>> -> memref<125xi32, #tpu.memory_space<vmem>>
      %dma_start3A_180 = arith.constant 0 : i32
      %dma_start3A_181 = arith.constant 0 : i32
      %dma_start3A_182 = tpu.memref_slice %arg11[%dma_start3A_180, %dma_start3A_181] : memref<10240x128xf32, #tpu.memory_space<vmem_shared>> -> memref<10240x128xf32, #tpu.memory_space<vmem_shared>>
      tpu.enqueue_indirect_dma source(%arg10 : memref<125x128xf32, #tpu.memory_space<vmem>>) target(%dma_start3A_182 : memref<10240x128xf32, #tpu.memory_space<vmem_shared>>) offsets(%dma_start3A_179 : memref<125xi32, #tpu.memory_space<vmem>>) semaphore(%arg16 : memref<!tpu.dma_semaphore, #tpu.memory_space<semaphore_mem>>) {add = true}
      %dma_wait3A_183 = arith.constant 0 : i32
      %dma_wait3A_184 = arith.constant 0 : i32
      %dma_wait3A_185 = arith.constant 0 : i32
      %dma_wait3A_186 = tpu.memref_slice %arg7[%rem3A_124, %dma_wait3A_184, %dma_wait3A_185] : memref<2x8x125xi32, #tpu.memory_space<vmem>> -> memref<1x8x125xi32, #tpu.memory_space<vmem>>
      %dma_wait3A_187 = tpu.memref_squeeze %dma_wait3A_186 : memref<1x8x125xi32, #tpu.memory_space<vmem>> -> memref<8x125xi32, #tpu.memory_space<vmem>>
      %dma_wait3A_188 = arith.constant 0 : i32
      %dma_wait3A_189 = tpu.memref_slice %dma_wait3A_187[%dma_wait3A_183, %dma_wait3A_188] : memref<8x125xi32, #tpu.memory_space<vmem>> -> memref<1x125xi32, #tpu.memory_space<vmem>>
      %dma_wait3A_190 = tpu.memref_squeeze %dma_wait3A_189 : memref<1x125xi32, #tpu.memory_space<vmem>> -> memref<125xi32, #tpu.memory_space<vmem>>
      %dma_wait3A_191 = arith.constant 0 : i32
      %dma_wait3A_192 = arith.constant 0 : i32
      %dma_wait3A_193 = tpu.memref_slice %arg11[%dma_wait3A_191, %dma_wait3A_192] : memref<10240x128xf32, #tpu.memory_space<vmem_shared>> -> memref<10240x128xf32, #tpu.memory_space<vmem_shared>>
      tpu.wait_indirect_dma semaphore(%arg15 : memref<!tpu.dma_semaphore, #tpu.memory_space<semaphore_mem>>) src(%arg9 : memref<125x128xf32, #tpu.memory_space<vmem>>) dst(%dma_wait3A_193 : memref<10240x128xf32, #tpu.memory_space<vmem_shared>>)
      %add3A_194 = arith.constant 1 : i32
      %add3A_195 = arith.addi %scan3A_123, %add3A_194 : i32
      %lt3A = arith.constant 10 : i32
      %lt3A_196 = arith.cmpi slt, %add3A_195, %lt3A : i32
      %convert_element_type3A_197 = arith.extui %lt3A_196 : i1 to i32
      %cond3A_198 = arith.constant 0 : i32
      %cond3A_199 = arith.cmpi ne, %convert_element_type3A_197, %cond3A_198 : i32
      scf.if %cond3A_199 {
        %add3A_471 = arith.constant 1 : i32
        %add3A_472 = arith.addi %scan3A_123, %add3A_471 : i32
        %mul3A_473 = arith.constant 8 : i32
        %mul3A_474 = arith.muli %add3A_472, %mul3A_473 : i32
        %dma_start3A_475 = arith.constant 0 : i32
        %dma_start3A_476 = arith.constant 0 : i32
        %dma_start3A_477 = tpu.memref_slice %arg7[%sub3A_125, %dma_start3A_475, %dma_start3A_476] : memref<2x8x125xi32, #tpu.memory_space<vmem>> -> memref<1x8x125xi32, #tpu.memory_space<vmem>>
        %dma_start3A_478 = tpu.memref_squeeze %dma_start3A_477 : memref<1x8x125xi32, #tpu.memory_space<vmem>> -> memref<8x125xi32, #tpu.memory_space<vmem>>
        %dma_start3A_479 = arith.constant 0 : i32
        %dma_start3A_480 = arith.constant 0 : i32
        %dma_start3A_481 = tpu.memref_slice %arg2[%add3A, %dma_start3A_479, %dma_start3A_480] : memref<32x80x125xi32, #tpu.memory_space<hbm>> -> memref<1x80x125xi32, #tpu.memory_space<hbm>>
        %dma_start3A_482 = tpu.memref_squeeze %dma_start3A_481 : memref<1x80x125xi32, #tpu.memory_space<hbm>> -> memref<80x125xi32, #tpu.memory_space<hbm>>
        %dma_start3A_483 = arith.constant 0 : i32
        %dma_start3A_484 = tpu.memref_slice %dma_start3A_482[%mul3A_474, %dma_start3A_483] : memref<80x125xi32, #tpu.memory_space<hbm>> -> memref<8x125xi32, #tpu.memory_space<hbm>>
        %dma_start3A_485 = arith.constant 0 : i32
        %dma_start3A_486 = arith.constant 0 : i32
        %dma_start3A_487 = tpu.memref_slice %arg7[%sub3A_125, %dma_start3A_485, %dma_start3A_486] : memref<2x8x125xi32, #tpu.memory_space<vmem>> -> memref<1x8x125xi32, #tpu.memory_space<vmem>>
        %dma_start3A_488 = tpu.memref_squeeze %dma_start3A_487 : memref<1x8x125xi32, #tpu.memory_space<vmem>> -> memref<8x125xi32, #tpu.memory_space<vmem>>
        %dma_start3A_489 = arith.constant 0 : i32
        %dma_start3A_490 = arith.constant 0 : i32
        %dma_start3A_491 = tpu.memref_slice %arg2[%add3A, %dma_start3A_489, %dma_start3A_490] : memref<32x80x125xi32, #tpu.memory_space<hbm>> -> memref<1x80x125xi32, #tpu.memory_space<hbm>>
        %dma_start3A_492 = tpu.memref_squeeze %dma_start3A_491 : memref<1x80x125xi32, #tpu.memory_space<hbm>> -> memref<80x125xi32, #tpu.memory_space<hbm>>
        %dma_start3A_493 = arith.constant 0 : i32
        %dma_start3A_494 = tpu.memref_slice %dma_start3A_492[%mul3A_474, %dma_start3A_493] : memref<80x125xi32, #tpu.memory_space<hbm>> -> memref<8x125xi32, #tpu.memory_space<hbm>>
        tpu.enqueue_dma source(%dma_start3A_494 : memref<8x125xi32, #tpu.memory_space<hbm>>) target(%dma_start3A_488 : memref<8x125xi32, #tpu.memory_space<vmem>>) target_semaphore(%arg12 : memref<!tpu.dma_semaphore, #tpu.memory_space<semaphore_mem>>)
        %mul3A_495 = arith.constant 8 : i32
        %mul3A_496 = arith.muli %add3A_472, %mul3A_495 : i32
        %dma_start3A_497 = arith.constant 0 : i32
        %dma_start3A_498 = arith.constant 0 : i32
        %dma_start3A_499 = tpu.memref_slice %arg8[%sub3A_125, %dma_start3A_497, %dma_start3A_498] : memref<2x8x125xi32, #tpu.memory_space<vmem>> -> memref<1x8x125xi32, #tpu.memory_space<vmem>>
        %dma_start3A_500 = tpu.memref_squeeze %dma_start3A_499 : memref<1x8x125xi32, #tpu.memory_space<vmem>> -> memref<8x125xi32, #tpu.memory_space<vmem>>
        %dma_start3A_501 = arith.constant 0 : i32
        %dma_start3A_502 = arith.constant 0 : i32
        %dma_start3A_503 = tpu.memref_slice %arg3[%add3A, %dma_start3A_501, %dma_start3A_502] : memref<32x80x125xi32, #tpu.memory_space<hbm>> -> memref<1x80x125xi32, #tpu.memory_space<hbm>>
        %dma_start3A_504 = tpu.memref_squeeze %dma_start3A_503 : memref<1x80x125xi32, #tpu.memory_space<hbm>> -> memref<80x125xi32, #tpu.memory_space<hbm>>
        %dma_start3A_505 = arith.constant 0 : i32
        %dma_start3A_506 = tpu.memref_slice %dma_start3A_504[%mul3A_496, %dma_start3A_505] : memref<80x125xi32, #tpu.memory_space<hbm>> -> memref<8x125xi32, #tpu.memory_space<hbm>>
        %dma_start3A_507 = arith.constant 0 : i32
        %dma_start3A_508 = arith.constant 0 : i32
        %dma_start3A_509 = tpu.memref_slice %arg8[%sub3A_125, %dma_start3A_507, %dma_start3A_508] : memref<2x8x125xi32, #tpu.memory_space<vmem>> -> memref<1x8x125xi32, #tpu.memory_space<vmem>>
        %dma_start3A_510 = tpu.memref_squeeze %dma_start3A_509 : memref<1x8x125xi32, #tpu.memory_space<vmem>> -> memref<8x125xi32, #tpu.memory_space<vmem>>
        %dma_start3A_511 = arith.constant 0 : i32
        %dma_start3A_512 = arith.constant 0 : i32
        %dma_start3A_513 = tpu.memref_slice %arg3[%add3A, %dma_start3A_511, %dma_start3A_512] : memref<32x80x125xi32, #tpu.memory_space<hbm>> -> memref<1x80x125xi32, #tpu.memory_space<hbm>>
        %dma_start3A_514 = tpu.memref_squeeze %dma_start3A_513 : memref<1x80x125xi32, #tpu.memory_space<hbm>> -> memref<80x125xi32, #tpu.memory_space<hbm>>
        %dma_start3A_515 = arith.constant 0 : i32
        %dma_start3A_516 = tpu.memref_slice %dma_start3A_514[%mul3A_496, %dma_start3A_515] : memref<80x125xi32, #tpu.memory_space<hbm>> -> memref<8x125xi32, #tpu.memory_space<hbm>>
        tpu.enqueue_dma source(%dma_start3A_516 : memref<8x125xi32, #tpu.memory_space<hbm>>) target(%dma_start3A_510 : memref<8x125xi32, #tpu.memory_space<vmem>>) target_semaphore(%arg12 : memref<!tpu.dma_semaphore, #tpu.memory_space<semaphore_mem>>)
      } else {
      }
      %dma_start3A_200 = arith.constant 2 : i32
      %dma_start3A_201 = arith.constant 0 : i32
      %dma_start3A_202 = arith.constant 0 : i32
      %dma_start3A_203 = tpu.memref_slice %arg8[%rem3A_124, %dma_start3A_201, %dma_start3A_202] : memref<2x8x125xi32, #tpu.memory_space<vmem>> -> memref<1x8x125xi32, #tpu.memory_space<vmem>>
      %dma_start3A_204 = tpu.memref_squeeze %dma_start3A_203 : memref<1x8x125xi32, #tpu.memory_space<vmem>> -> memref<8x125xi32, #tpu.memory_space<vmem>>
      %dma_start3A_205 = arith.constant 0 : i32
      %dma_start3A_206 = tpu.memref_slice %dma_start3A_204[%dma_start3A_200, %dma_start3A_205] : memref<8x125xi32, #tpu.memory_space<vmem>> -> memref<1x125xi32, #tpu.memory_space<vmem>>
      %dma_start3A_207 = tpu.memref_squeeze %dma_start3A_206 : memref<1x125xi32, #tpu.memory_space<vmem>> -> memref<125xi32, #tpu.memory_space<vmem>>
      %dma_start3A_208 = arith.constant 0 : i32
      %dma_start3A_209 = arith.constant 0 : i32
      %dma_start3A_210 = tpu.memref_slice %arg4[%dma_start3A_208, %dma_start3A_209] : memref<10000x128xf32, #tpu.memory_space<hbm>> -> memref<10000x128xf32, #tpu.memory_space<hbm>>
      tpu.enqueue_indirect_dma source(%dma_start3A_210 : memref<10000x128xf32, #tpu.memory_space<hbm>>) target(%arg9 : memref<125x128xf32, #tpu.memory_space<vmem>>) offsets(%dma_start3A_207 : memref<125xi32, #tpu.memory_space<vmem>>) semaphore(%arg13 : memref<!tpu.dma_semaphore, #tpu.memory_space<semaphore_mem>>)
      %dma_wait3A_211 = arith.constant 2 : i32
      %dma_wait3A_212 = arith.constant 0 : i32
      %dma_wait3A_213 = arith.constant 0 : i32
      %dma_wait3A_214 = tpu.memref_slice %arg8[%rem3A_124, %dma_wait3A_212, %dma_wait3A_213] : memref<2x8x125xi32, #tpu.memory_space<vmem>> -> memref<1x8x125xi32, #tpu.memory_space<vmem>>
      %dma_wait3A_215 = tpu.memref_squeeze %dma_wait3A_214 : memref<1x8x125xi32, #tpu.memory_space<vmem>> -> memref<8x125xi32, #tpu.memory_space<vmem>>
      %dma_wait3A_216 = arith.constant 0 : i32
      %dma_wait3A_217 = tpu.memref_slice %dma_wait3A_215[%dma_wait3A_211, %dma_wait3A_216] : memref<8x125xi32, #tpu.memory_space<vmem>> -> memref<1x125xi32, #tpu.memory_space<vmem>>
      %dma_wait3A_218 = tpu.memref_squeeze %dma_wait3A_217 : memref<1x125xi32, #tpu.memory_space<vmem>> -> memref<125xi32, #tpu.memory_space<vmem>>
      %dma_wait3A_219 = arith.constant 0 : i32
      %dma_wait3A_220 = arith.constant 0 : i32
      %dma_wait3A_221 = tpu.memref_slice %arg4[%dma_wait3A_219, %dma_wait3A_220] : memref<10000x128xf32, #tpu.memory_space<hbm>> -> memref<10000x128xf32, #tpu.memory_space<hbm>>
      tpu.wait_indirect_dma semaphore(%arg13 : memref<!tpu.dma_semaphore, #tpu.memory_space<semaphore_mem>>) src(%dma_wait3A_221 : memref<10000x128xf32, #tpu.memory_space<hbm>>) dst(%arg9 : memref<125x128xf32, #tpu.memory_space<vmem>>)
      %dma_start3A_222 = arith.constant 2 : i32
      %dma_start3A_223 = arith.constant 0 : i32
      %dma_start3A_224 = arith.constant 0 : i32
      %dma_start3A_225 = tpu.memref_slice %arg7[%rem3A_124, %dma_start3A_223, %dma_start3A_224] : memref<2x8x125xi32, #tpu.memory_space<vmem>> -> memref<1x8x125xi32, #tpu.memory_space<vmem>>
      %dma_start3A_226 = tpu.memref_squeeze %dma_start3A_225 : memref<1x8x125xi32, #tpu.memory_space<vmem>> -> memref<8x125xi32, #tpu.memory_space<vmem>>
      %dma_start3A_227 = arith.constant 0 : i32
      %dma_start3A_228 = tpu.memref_slice %dma_start3A_226[%dma_start3A_222, %dma_start3A_227] : memref<8x125xi32, #tpu.memory_space<vmem>> -> memref<1x125xi32, #tpu.memory_space<vmem>>
      %dma_start3A_229 = tpu.memref_squeeze %dma_start3A_228 : memref<1x125xi32, #tpu.memory_space<vmem>> -> memref<125xi32, #tpu.memory_space<vmem>>
      %dma_start3A_230 = arith.constant 0 : i32
      %dma_start3A_231 = arith.constant 0 : i32
      %dma_start3A_232 = tpu.memref_slice %arg11[%dma_start3A_230, %dma_start3A_231] : memref<10240x128xf32, #tpu.memory_space<vmem_shared>> -> memref<10240x128xf32, #tpu.memory_space<vmem_shared>>
      tpu.enqueue_indirect_dma source(%arg9 : memref<125x128xf32, #tpu.memory_space<vmem>>) target(%dma_start3A_232 : memref<10240x128xf32, #tpu.memory_space<vmem_shared>>) offsets(%dma_start3A_229 : memref<125xi32, #tpu.memory_space<vmem>>) semaphore(%arg15 : memref<!tpu.dma_semaphore, #tpu.memory_space<semaphore_mem>>) {add = true}
      %dma_wait3A_233 = arith.constant 1 : i32
      %dma_wait3A_234 = arith.constant 0 : i32
      %dma_wait3A_235 = arith.constant 0 : i32
      %dma_wait3A_236 = tpu.memref_slice %arg7[%rem3A_124, %dma_wait3A_234, %dma_wait3A_235] : memref<2x8x125xi32, #tpu.memory_space<vmem>> -> memref<1x8x125xi32, #tpu.memory_space<vmem>>
      %dma_wait3A_237 = tpu.memref_squeeze %dma_wait3A_236 : memref<1x8x125xi32, #tpu.memory_space<vmem>> -> memref<8x125xi32, #tpu.memory_space<vmem>>
      %dma_wait3A_238 = arith.constant 0 : i32
      %dma_wait3A_239 = tpu.memref_slice %dma_wait3A_237[%dma_wait3A_233, %dma_wait3A_238] : memref<8x125xi32, #tpu.memory_space<vmem>> -> memref<1x125xi32, #tpu.memory_space<vmem>>
      %dma_wait3A_240 = tpu.memref_squeeze %dma_wait3A_239 : memref<1x125xi32, #tpu.memory_space<vmem>> -> memref<125xi32, #tpu.memory_space<vmem>>
      %dma_wait3A_241 = arith.constant 0 : i32
      %dma_wait3A_242 = arith.constant 0 : i32
      %dma_wait3A_243 = tpu.memref_slice %arg11[%dma_wait3A_241, %dma_wait3A_242] : memref<10240x128xf32, #tpu.memory_space<vmem_shared>> -> memref<10240x128xf32, #tpu.memory_space<vmem_shared>>
      tpu.wait_indirect_dma semaphore(%arg16 : memref<!tpu.dma_semaphore, #tpu.memory_space<semaphore_mem>>) src(%arg10 : memref<125x128xf32, #tpu.memory_space<vmem>>) dst(%dma_wait3A_243 : memref<10240x128xf32, #tpu.memory_space<vmem_shared>>)
      %dma_start3A_244 = arith.constant 3 : i32
      %dma_start3A_245 = arith.constant 0 : i32
      %dma_start3A_246 = arith.constant 0 : i32
      %dma_start3A_247 = tpu.memref_slice %arg8[%rem3A_124, %dma_start3A_245, %dma_start3A_246] : memref<2x8x125xi32, #tpu.memory_space<vmem>> -> memref<1x8x125xi32, #tpu.memory_space<vmem>>
      %dma_start3A_248 = tpu.memref_squeeze %dma_start3A_247 : memref<1x8x125xi32, #tpu.memory_space<vmem>> -> memref<8x125xi32, #tpu.memory_space<vmem>>
      %dma_start3A_249 = arith.constant 0 : i32
      %dma_start3A_250 = tpu.memref_slice %dma_start3A_248[%dma_start3A_244, %dma_start3A_249] : memref<8x125xi32, #tpu.memory_space<vmem>> -> memref<1x125xi32, #tpu.memory_space<vmem>>
      %dma_start3A_251 = tpu.memref_squeeze %dma_start3A_250 : memref<1x125xi32, #tpu.memory_space<vmem>> -> memref<125xi32, #tpu.memory_space<vmem>>
      %dma_start3A_252 = arith.constant 0 : i32
      %dma_start3A_253 = arith.constant 0 : i32
      %dma_start3A_254 = tpu.memref_slice %arg4[%dma_start3A_252, %dma_start3A_253] : memref<10000x128xf32, #tpu.memory_space<hbm>> -> memref<10000x128xf32, #tpu.memory_space<hbm>>
      tpu.enqueue_indirect_dma source(%dma_start3A_254 : memref<10000x128xf32, #tpu.memory_space<hbm>>) target(%arg10 : memref<125x128xf32, #tpu.memory_space<vmem>>) offsets(%dma_start3A_251 : memref<125xi32, #tpu.memory_space<vmem>>) semaphore(%arg14 : memref<!tpu.dma_semaphore, #tpu.memory_space<semaphore_mem>>)
      %dma_wait3A_255 = arith.constant 3 : i32
      %dma_wait3A_256 = arith.constant 0 : i32
      %dma_wait3A_257 = arith.constant 0 : i32
      %dma_wait3A_258 = tpu.memref_slice %arg8[%rem3A_124, %dma_wait3A_256, %dma_wait3A_257] : memref<2x8x125xi32, #tpu.memory_space<vmem>> -> memref<1x8x125xi32, #tpu.memory_space<vmem>>
      %dma_wait3A_259 = tpu.memref_squeeze %dma_wait3A_258 : memref<1x8x125xi32, #tpu.memory_space<vmem>> -> memref<8x125xi32, #tpu.memory_space<vmem>>
      %dma_wait3A_260 = arith.constant 0 : i32
      %dma_wait3A_261 = tpu.memref_slice %dma_wait3A_259[%dma_wait3A_255, %dma_wait3A_260] : memref<8x125xi32, #tpu.memory_space<vmem>> -> memref<1x125xi32, #tpu.memory_space<vmem>>
      %dma_wait3A_262 = tpu.memref_squeeze %dma_wait3A_261 : memref<1x125xi32, #tpu.memory_space<vmem>> -> memref<125xi32, #tpu.memory_space<vmem>>
      %dma_wait3A_263 = arith.constant 0 : i32
      %dma_wait3A_264 = arith.constant 0 : i32
      %dma_wait3A_265 = tpu.memref_slice %arg4[%dma_wait3A_263, %dma_wait3A_264] : memref<10000x128xf32, #tpu.memory_space<hbm>> -> memref<10000x128xf32, #tpu.memory_space<hbm>>
      tpu.wait_indirect_dma semaphore(%arg14 : memref<!tpu.dma_semaphore, #tpu.memory_space<semaphore_mem>>) src(%dma_wait3A_265 : memref<10000x128xf32, #tpu.memory_space<hbm>>) dst(%arg10 : memref<125x128xf32, #tpu.memory_space<vmem>>)
      %dma_start3A_266 = arith.constant 3 : i32
      %dma_start3A_267 = arith.constant 0 : i32
      %dma_start3A_268 = arith.constant 0 : i32
      %dma_start3A_269 = tpu.memref_slice %arg7[%rem3A_124, %dma_start3A_267, %dma_start3A_268] : memref<2x8x125xi32, #tpu.memory_space<vmem>> -> memref<1x8x125xi32, #tpu.memory_space<vmem>>
      %dma_start3A_270 = tpu.memref_squeeze %dma_start3A_269 : memref<1x8x125xi32, #tpu.memory_space<vmem>> -> memref<8x125xi32, #tpu.memory_space<vmem>>
      %dma_start3A_271 = arith.constant 0 : i32
      %dma_start3A_272 = tpu.memref_slice %dma_start3A_270[%dma_start3A_266, %dma_start3A_271] : memref<8x125xi32, #tpu.memory_space<vmem>> -> memref<1x125xi32, #tpu.memory_space<vmem>>
      %dma_start3A_273 = tpu.memref_squeeze %dma_start3A_272 : memref<1x125xi32, #tpu.memory_space<vmem>> -> memref<125xi32, #tpu.memory_space<vmem>>
      %dma_start3A_274 = arith.constant 0 : i32
      %dma_start3A_275 = arith.constant 0 : i32
      %dma_start3A_276 = tpu.memref_slice %arg11[%dma_start3A_274, %dma_start3A_275] : memref<10240x128xf32, #tpu.memory_space<vmem_shared>> -> memref<10240x128xf32, #tpu.memory_space<vmem_shared>>
      tpu.enqueue_indirect_dma source(%arg10 : memref<125x128xf32, #tpu.memory_space<vmem>>) target(%dma_start3A_276 : memref<10240x128xf32, #tpu.memory_space<vmem_shared>>) offsets(%dma_start3A_273 : memref<125xi32, #tpu.memory_space<vmem>>) semaphore(%arg16 : memref<!tpu.dma_semaphore, #tpu.memory_space<semaphore_mem>>) {add = true}
      %dma_wait3A_277 = arith.constant 2 : i32
      %dma_wait3A_278 = arith.constant 0 : i32
      %dma_wait3A_279 = arith.constant 0 : i32
      %dma_wait3A_280 = tpu.memref_slice %arg7[%rem3A_124, %dma_wait3A_278, %dma_wait3A_279] : memref<2x8x125xi32, #tpu.memory_space<vmem>> -> memref<1x8x125xi32, #tpu.memory_space<vmem>>
      %dma_wait3A_281 = tpu.memref_squeeze %dma_wait3A_280 : memref<1x8x125xi32, #tpu.memory_space<vmem>> -> memref<8x125xi32, #tpu.memory_space<vmem>>
      %dma_wait3A_282 = arith.constant 0 : i32
      %dma_wait3A_283 = tpu.memref_slice %dma_wait3A_281[%dma_wait3A_277, %dma_wait3A_282] : memref<8x125xi32, #tpu.memory_space<vmem>> -> memref<1x125xi32, #tpu.memory_space<vmem>>
      %dma_wait3A_284 = tpu.memref_squeeze %dma_wait3A_283 : memref<1x125xi32, #tpu.memory_space<vmem>> -> memref<125xi32, #tpu.memory_space<vmem>>
      %dma_wait3A_285 = arith.constant 0 : i32
      %dma_wait3A_286 = arith.constant 0 : i32
      %dma_wait3A_287 = tpu.memref_slice %arg11[%dma_wait3A_285, %dma_wait3A_286] : memref<10240x128xf32, #tpu.memory_space<vmem_shared>> -> memref<10240x128xf32, #tpu.memory_space<vmem_shared>>
      tpu.wait_indirect_dma semaphore(%arg15 : memref<!tpu.dma_semaphore, #tpu.memory_space<semaphore_mem>>) src(%arg9 : memref<125x128xf32, #tpu.memory_space<vmem>>) dst(%dma_wait3A_287 : memref<10240x128xf32, #tpu.memory_space<vmem_shared>>)
      %dma_start3A_288 = arith.constant 4 : i32
      %dma_start3A_289 = arith.constant 0 : i32
      %dma_start3A_290 = arith.constant 0 : i32
      %dma_start3A_291 = tpu.memref_slice %arg8[%rem3A_124, %dma_start3A_289, %dma_start3A_290] : memref<2x8x125xi32, #tpu.memory_space<vmem>> -> memref<1x8x125xi32, #tpu.memory_space<vmem>>
      %dma_start3A_292 = tpu.memref_squeeze %dma_start3A_291 : memref<1x8x125xi32, #tpu.memory_space<vmem>> -> memref<8x125xi32, #tpu.memory_space<vmem>>
      %dma_start3A_293 = arith.constant 0 : i32
      %dma_start3A_294 = tpu.memref_slice %dma_start3A_292[%dma_start3A_288, %dma_start3A_293] : memref<8x125xi32, #tpu.memory_space<vmem>> -> memref<1x125xi32, #tpu.memory_space<vmem>>
      %dma_start3A_295 = tpu.memref_squeeze %dma_start3A_294 : memref<1x125xi32, #tpu.memory_space<vmem>> -> memref<125xi32, #tpu.memory_space<vmem>>
      %dma_start3A_296 = arith.constant 0 : i32
      %dma_start3A_297 = arith.constant 0 : i32
      %dma_start3A_298 = tpu.memref_slice %arg4[%dma_start3A_296, %dma_start3A_297] : memref<10000x128xf32, #tpu.memory_space<hbm>> -> memref<10000x128xf32, #tpu.memory_space<hbm>>
      tpu.enqueue_indirect_dma source(%dma_start3A_298 : memref<10000x128xf32, #tpu.memory_space<hbm>>) target(%arg9 : memref<125x128xf32, #tpu.memory_space<vmem>>) offsets(%dma_start3A_295 : memref<125xi32, #tpu.memory_space<vmem>>) semaphore(%arg13 : memref<!tpu.dma_semaphore, #tpu.memory_space<semaphore_mem>>)
      %dma_wait3A_299 = arith.constant 4 : i32
      %dma_wait3A_300 = arith.constant 0 : i32
      %dma_wait3A_301 = arith.constant 0 : i32
      %dma_wait3A_302 = tpu.memref_slice %arg8[%rem3A_124, %dma_wait3A_300, %dma_wait3A_301] : memref<2x8x125xi32, #tpu.memory_space<vmem>> -> memref<1x8x125xi32, #tpu.memory_space<vmem>>
      %dma_wait3A_303 = tpu.memref_squeeze %dma_wait3A_302 : memref<1x8x125xi32, #tpu.memory_space<vmem>> -> memref<8x125xi32, #tpu.memory_space<vmem>>
      %dma_wait3A_304 = arith.constant 0 : i32
      %dma_wait3A_305 = tpu.memref_slice %dma_wait3A_303[%dma_wait3A_299, %dma_wait3A_304] : memref<8x125xi32, #tpu.memory_space<vmem>> -> memref<1x125xi32, #tpu.memory_space<vmem>>
      %dma_wait3A_306 = tpu.memref_squeeze %dma_wait3A_305 : memref<1x125xi32, #tpu.memory_space<vmem>> -> memref<125xi32, #tpu.memory_space<vmem>>
      %dma_wait3A_307 = arith.constant 0 : i32
      %dma_wait3A_308 = arith.constant 0 : i32
      %dma_wait3A_309 = tpu.memref_slice %arg4[%dma_wait3A_307, %dma_wait3A_308] : memref<10000x128xf32, #tpu.memory_space<hbm>> -> memref<10000x128xf32, #tpu.memory_space<hbm>>
      tpu.wait_indirect_dma semaphore(%arg13 : memref<!tpu.dma_semaphore, #tpu.memory_space<semaphore_mem>>) src(%dma_wait3A_309 : memref<10000x128xf32, #tpu.memory_space<hbm>>) dst(%arg9 : memref<125x128xf32, #tpu.memory_space<vmem>>)
      %dma_start3A_310 = arith.constant 4 : i32
      %dma_start3A_311 = arith.constant 0 : i32
      %dma_start3A_312 = arith.constant 0 : i32
      %dma_start3A_313 = tpu.memref_slice %arg7[%rem3A_124, %dma_start3A_311, %dma_start3A_312] : memref<2x8x125xi32, #tpu.memory_space<vmem>> -> memref<1x8x125xi32, #tpu.memory_space<vmem>>
      %dma_start3A_314 = tpu.memref_squeeze %dma_start3A_313 : memref<1x8x125xi32, #tpu.memory_space<vmem>> -> memref<8x125xi32, #tpu.memory_space<vmem>>
      %dma_start3A_315 = arith.constant 0 : i32
      %dma_start3A_316 = tpu.memref_slice %dma_start3A_314[%dma_start3A_310, %dma_start3A_315] : memref<8x125xi32, #tpu.memory_space<vmem>> -> memref<1x125xi32, #tpu.memory_space<vmem>>
      %dma_start3A_317 = tpu.memref_squeeze %dma_start3A_316 : memref<1x125xi32, #tpu.memory_space<vmem>> -> memref<125xi32, #tpu.memory_space<vmem>>
      %dma_start3A_318 = arith.constant 0 : i32
      %dma_start3A_319 = arith.constant 0 : i32
      %dma_start3A_320 = tpu.memref_slice %arg11[%dma_start3A_318, %dma_start3A_319] : memref<10240x128xf32, #tpu.memory_space<vmem_shared>> -> memref<10240x128xf32, #tpu.memory_space<vmem_shared>>
      tpu.enqueue_indirect_dma source(%arg9 : memref<125x128xf32, #tpu.memory_space<vmem>>) target(%dma_start3A_320 : memref<10240x128xf32, #tpu.memory_space<vmem_shared>>) offsets(%dma_start3A_317 : memref<125xi32, #tpu.memory_space<vmem>>) semaphore(%arg15 : memref<!tpu.dma_semaphore, #tpu.memory_space<semaphore_mem>>) {add = true}
      %dma_wait3A_321 = arith.constant 3 : i32
      %dma_wait3A_322 = arith.constant 0 : i32
      %dma_wait3A_323 = arith.constant 0 : i32
      %dma_wait3A_324 = tpu.memref_slice %arg7[%rem3A_124, %dma_wait3A_322, %dma_wait3A_323] : memref<2x8x125xi32, #tpu.memory_space<vmem>> -> memref<1x8x125xi32, #tpu.memory_space<vmem>>
      %dma_wait3A_325 = tpu.memref_squeeze %dma_wait3A_324 : memref<1x8x125xi32, #tpu.memory_space<vmem>> -> memref<8x125xi32, #tpu.memory_space<vmem>>
      %dma_wait3A_326 = arith.constant 0 : i32
      %dma_wait3A_327 = tpu.memref_slice %dma_wait3A_325[%dma_wait3A_321, %dma_wait3A_326] : memref<8x125xi32, #tpu.memory_space<vmem>> -> memref<1x125xi32, #tpu.memory_space<vmem>>
      %dma_wait3A_328 = tpu.memref_squeeze %dma_wait3A_327 : memref<1x125xi32, #tpu.memory_space<vmem>> -> memref<125xi32, #tpu.memory_space<vmem>>
      %dma_wait3A_329 = arith.constant 0 : i32
      %dma_wait3A_330 = arith.constant 0 : i32
      %dma_wait3A_331 = tpu.memref_slice %arg11[%dma_wait3A_329, %dma_wait3A_330] : memref<10240x128xf32, #tpu.memory_space<vmem_shared>> -> memref<10240x128xf32, #tpu.memory_space<vmem_shared>>
      tpu.wait_indirect_dma semaphore(%arg16 : memref<!tpu.dma_semaphore, #tpu.memory_space<semaphore_mem>>) src(%arg10 : memref<125x128xf32, #tpu.memory_space<vmem>>) dst(%dma_wait3A_331 : memref<10240x128xf32, #tpu.memory_space<vmem_shared>>)
      %dma_start3A_332 = arith.constant 5 : i32
      %dma_start3A_333 = arith.constant 0 : i32
      %dma_start3A_334 = arith.constant 0 : i32
      %dma_start3A_335 = tpu.memref_slice %arg8[%rem3A_124, %dma_start3A_333, %dma_start3A_334] : memref<2x8x125xi32, #tpu.memory_space<vmem>> -> memref<1x8x125xi32, #tpu.memory_space<vmem>>
      %dma_start3A_336 = tpu.memref_squeeze %dma_start3A_335 : memref<1x8x125xi32, #tpu.memory_space<vmem>> -> memref<8x125xi32, #tpu.memory_space<vmem>>
      %dma_start3A_337 = arith.constant 0 : i32
      %dma_start3A_338 = tpu.memref_slice %dma_start3A_336[%dma_start3A_332, %dma_start3A_337] : memref<8x125xi32, #tpu.memory_space<vmem>> -> memref<1x125xi32, #tpu.memory_space<vmem>>
      %dma_start3A_339 = tpu.memref_squeeze %dma_start3A_338 : memref<1x125xi32, #tpu.memory_space<vmem>> -> memref<125xi32, #tpu.memory_space<vmem>>
      %dma_start3A_340 = arith.constant 0 : i32
      %dma_start3A_341 = arith.constant 0 : i32
      %dma_start3A_342 = tpu.memref_slice %arg4[%dma_start3A_340, %dma_start3A_341] : memref<10000x128xf32, #tpu.memory_space<hbm>> -> memref<10000x128xf32, #tpu.memory_space<hbm>>
      tpu.enqueue_indirect_dma source(%dma_start3A_342 : memref<10000x128xf32, #tpu.memory_space<hbm>>) target(%arg10 : memref<125x128xf32, #tpu.memory_space<vmem>>) offsets(%dma_start3A_339 : memref<125xi32, #tpu.memory_space<vmem>>) semaphore(%arg14 : memref<!tpu.dma_semaphore, #tpu.memory_space<semaphore_mem>>)
      %dma_wait3A_343 = arith.constant 5 : i32
      %dma_wait3A_344 = arith.constant 0 : i32
      %dma_wait3A_345 = arith.constant 0 : i32
      %dma_wait3A_346 = tpu.memref_slice %arg8[%rem3A_124, %dma_wait3A_344, %dma_wait3A_345] : memref<2x8x125xi32, #tpu.memory_space<vmem>> -> memref<1x8x125xi32, #tpu.memory_space<vmem>>
      %dma_wait3A_347 = tpu.memref_squeeze %dma_wait3A_346 : memref<1x8x125xi32, #tpu.memory_space<vmem>> -> memref<8x125xi32, #tpu.memory_space<vmem>>
      %dma_wait3A_348 = arith.constant 0 : i32
      %dma_wait3A_349 = tpu.memref_slice %dma_wait3A_347[%dma_wait3A_343, %dma_wait3A_348] : memref<8x125xi32, #tpu.memory_space<vmem>> -> memref<1x125xi32, #tpu.memory_space<vmem>>
      %dma_wait3A_350 = tpu.memref_squeeze %dma_wait3A_349 : memref<1x125xi32, #tpu.memory_space<vmem>> -> memref<125xi32, #tpu.memory_space<vmem>>
      %dma_wait3A_351 = arith.constant 0 : i32
      %dma_wait3A_352 = arith.constant 0 : i32
      %dma_wait3A_353 = tpu.memref_slice %arg4[%dma_wait3A_351, %dma_wait3A_352] : memref<10000x128xf32, #tpu.memory_space<hbm>> -> memref<10000x128xf32, #tpu.memory_space<hbm>>
      tpu.wait_indirect_dma semaphore(%arg14 : memref<!tpu.dma_semaphore, #tpu.memory_space<semaphore_mem>>) src(%dma_wait3A_353 : memref<10000x128xf32, #tpu.memory_space<hbm>>) dst(%arg10 : memref<125x128xf32, #tpu.memory_space<vmem>>)
      %dma_start3A_354 = arith.constant 5 : i32
      %dma_start3A_355 = arith.constant 0 : i32
      %dma_start3A_356 = arith.constant 0 : i32
      %dma_start3A_357 = tpu.memref_slice %arg7[%rem3A_124, %dma_start3A_355, %dma_start3A_356] : memref<2x8x125xi32, #tpu.memory_space<vmem>> -> memref<1x8x125xi32, #tpu.memory_space<vmem>>
      %dma_start3A_358 = tpu.memref_squeeze %dma_start3A_357 : memref<1x8x125xi32, #tpu.memory_space<vmem>> -> memref<8x125xi32, #tpu.memory_space<vmem>>
      %dma_start3A_359 = arith.constant 0 : i32
      %dma_start3A_360 = tpu.memref_slice %dma_start3A_358[%dma_start3A_354, %dma_start3A_359] : memref<8x125xi32, #tpu.memory_space<vmem>> -> memref<1x125xi32, #tpu.memory_space<vmem>>
      %dma_start3A_361 = tpu.memref_squeeze %dma_start3A_360 : memref<1x125xi32, #tpu.memory_space<vmem>> -> memref<125xi32, #tpu.memory_space<vmem>>
      %dma_start3A_362 = arith.constant 0 : i32
      %dma_start3A_363 = arith.constant 0 : i32
      %dma_start3A_364 = tpu.memref_slice %arg11[%dma_start3A_362, %dma_start3A_363] : memref<10240x128xf32, #tpu.memory_space<vmem_shared>> -> memref<10240x128xf32, #tpu.memory_space<vmem_shared>>
      tpu.enqueue_indirect_dma source(%arg10 : memref<125x128xf32, #tpu.memory_space<vmem>>) target(%dma_start3A_364 : memref<10240x128xf32, #tpu.memory_space<vmem_shared>>) offsets(%dma_start3A_361 : memref<125xi32, #tpu.memory_space<vmem>>) semaphore(%arg16 : memref<!tpu.dma_semaphore, #tpu.memory_space<semaphore_mem>>) {add = true}
      %dma_wait3A_365 = arith.constant 4 : i32
      %dma_wait3A_366 = arith.constant 0 : i32
      %dma_wait3A_367 = arith.constant 0 : i32
      %dma_wait3A_368 = tpu.memref_slice %arg7[%rem3A_124, %dma_wait3A_366, %dma_wait3A_367] : memref<2x8x125xi32, #tpu.memory_space<vmem>> -> memref<1x8x125xi32, #tpu.memory_space<vmem>>
      %dma_wait3A_369 = tpu.memref_squeeze %dma_wait3A_368 : memref<1x8x125xi32, #tpu.memory_space<vmem>> -> memref<8x125xi32, #tpu.memory_space<vmem>>
      %dma_wait3A_370 = arith.constant 0 : i32
      %dma_wait3A_371 = tpu.memref_slice %dma_wait3A_369[%dma_wait3A_365, %dma_wait3A_370] : memref<8x125xi32, #tpu.memory_space<vmem>> -> memref<1x125xi32, #tpu.memory_space<vmem>>
      %dma_wait3A_372 = tpu.memref_squeeze %dma_wait3A_371 : memref<1x125xi32, #tpu.memory_space<vmem>> -> memref<125xi32, #tpu.memory_space<vmem>>
      %dma_wait3A_373 = arith.constant 0 : i32
      %dma_wait3A_374 = arith.constant 0 : i32
      %dma_wait3A_375 = tpu.memref_slice %arg11[%dma_wait3A_373, %dma_wait3A_374] : memref<10240x128xf32, #tpu.memory_space<vmem_shared>> -> memref<10240x128xf32, #tpu.memory_space<vmem_shared>>
      tpu.wait_indirect_dma semaphore(%arg15 : memref<!tpu.dma_semaphore, #tpu.memory_space<semaphore_mem>>) src(%arg9 : memref<125x128xf32, #tpu.memory_space<vmem>>) dst(%dma_wait3A_375 : memref<10240x128xf32, #tpu.memory_space<vmem_shared>>)
      %dma_start3A_376 = arith.constant 6 : i32
      %dma_start3A_377 = arith.constant 0 : i32
      %dma_start3A_378 = arith.constant 0 : i32
      %dma_start3A_379 = tpu.memref_slice %arg8[%rem3A_124, %dma_start3A_377, %dma_start3A_378] : memref<2x8x125xi32, #tpu.memory_space<vmem>> -> memref<1x8x125xi32, #tpu.memory_space<vmem>>
      %dma_start3A_380 = tpu.memref_squeeze %dma_start3A_379 : memref<1x8x125xi32, #tpu.memory_space<vmem>> -> memref<8x125xi32, #tpu.memory_space<vmem>>
      %dma_start3A_381 = arith.constant 0 : i32
      %dma_start3A_382 = tpu.memref_slice %dma_start3A_380[%dma_start3A_376, %dma_start3A_381] : memref<8x125xi32, #tpu.memory_space<vmem>> -> memref<1x125xi32, #tpu.memory_space<vmem>>
      %dma_start3A_383 = tpu.memref_squeeze %dma_start3A_382 : memref<1x125xi32, #tpu.memory_space<vmem>> -> memref<125xi32, #tpu.memory_space<vmem>>
      %dma_start3A_384 = arith.constant 0 : i32
      %dma_start3A_385 = arith.constant 0 : i32
      %dma_start3A_386 = tpu.memref_slice %arg4[%dma_start3A_384, %dma_start3A_385] : memref<10000x128xf32, #tpu.memory_space<hbm>> -> memref<10000x128xf32, #tpu.memory_space<hbm>>
      tpu.enqueue_indirect_dma source(%dma_start3A_386 : memref<10000x128xf32, #tpu.memory_space<hbm>>) target(%arg9 : memref<125x128xf32, #tpu.memory_space<vmem>>) offsets(%dma_start3A_383 : memref<125xi32, #tpu.memory_space<vmem>>) semaphore(%arg13 : memref<!tpu.dma_semaphore, #tpu.memory_space<semaphore_mem>>)
      %dma_wait3A_387 = arith.constant 6 : i32
      %dma_wait3A_388 = arith.constant 0 : i32
      %dma_wait3A_389 = arith.constant 0 : i32
      %dma_wait3A_390 = tpu.memref_slice %arg8[%rem3A_124, %dma_wait3A_388, %dma_wait3A_389] : memref<2x8x125xi32, #tpu.memory_space<vmem>> -> memref<1x8x125xi32, #tpu.memory_space<vmem>>
      %dma_wait3A_391 = tpu.memref_squeeze %dma_wait3A_390 : memref<1x8x125xi32, #tpu.memory_space<vmem>> -> memref<8x125xi32, #tpu.memory_space<vmem>>
      %dma_wait3A_392 = arith.constant 0 : i32
      %dma_wait3A_393 = tpu.memref_slice %dma_wait3A_391[%dma_wait3A_387, %dma_wait3A_392] : memref<8x125xi32, #tpu.memory_space<vmem>> -> memref<1x125xi32, #tpu.memory_space<vmem>>
      %dma_wait3A_394 = tpu.memref_squeeze %dma_wait3A_393 : memref<1x125xi32, #tpu.memory_space<vmem>> -> memref<125xi32, #tpu.memory_space<vmem>>
      %dma_wait3A_395 = arith.constant 0 : i32
      %dma_wait3A_396 = arith.constant 0 : i32
      %dma_wait3A_397 = tpu.memref_slice %arg4[%dma_wait3A_395, %dma_wait3A_396] : memref<10000x128xf32, #tpu.memory_space<hbm>> -> memref<10000x128xf32, #tpu.memory_space<hbm>>
      tpu.wait_indirect_dma semaphore(%arg13 : memref<!tpu.dma_semaphore, #tpu.memory_space<semaphore_mem>>) src(%dma_wait3A_397 : memref<10000x128xf32, #tpu.memory_space<hbm>>) dst(%arg9 : memref<125x128xf32, #tpu.memory_space<vmem>>)
      %dma_start3A_398 = arith.constant 6 : i32
      %dma_start3A_399 = arith.constant 0 : i32
      %dma_start3A_400 = arith.constant 0 : i32
      %dma_start3A_401 = tpu.memref_slice %arg7[%rem3A_124, %dma_start3A_399, %dma_start3A_400] : memref<2x8x125xi32, #tpu.memory_space<vmem>> -> memref<1x8x125xi32, #tpu.memory_space<vmem>>
      %dma_start3A_402 = tpu.memref_squeeze %dma_start3A_401 : memref<1x8x125xi32, #tpu.memory_space<vmem>> -> memref<8x125xi32, #tpu.memory_space<vmem>>
      %dma_start3A_403 = arith.constant 0 : i32
      %dma_start3A_404 = tpu.memref_slice %dma_start3A_402[%dma_start3A_398, %dma_start3A_403] : memref<8x125xi32, #tpu.memory_space<vmem>> -> memref<1x125xi32, #tpu.memory_space<vmem>>
      %dma_start3A_405 = tpu.memref_squeeze %dma_start3A_404 : memref<1x125xi32, #tpu.memory_space<vmem>> -> memref<125xi32, #tpu.memory_space<vmem>>
      %dma_start3A_406 = arith.constant 0 : i32
      %dma_start3A_407 = arith.constant 0 : i32
      %dma_start3A_408 = tpu.memref_slice %arg11[%dma_start3A_406, %dma_start3A_407] : memref<10240x128xf32, #tpu.memory_space<vmem_shared>> -> memref<10240x128xf32, #tpu.memory_space<vmem_shared>>
      tpu.enqueue_indirect_dma source(%arg9 : memref<125x128xf32, #tpu.memory_space<vmem>>) target(%dma_start3A_408 : memref<10240x128xf32, #tpu.memory_space<vmem_shared>>) offsets(%dma_start3A_405 : memref<125xi32, #tpu.memory_space<vmem>>) semaphore(%arg15 : memref<!tpu.dma_semaphore, #tpu.memory_space<semaphore_mem>>) {add = true}
      %dma_wait3A_409 = arith.constant 5 : i32
      %dma_wait3A_410 = arith.constant 0 : i32
      %dma_wait3A_411 = arith.constant 0 : i32
      %dma_wait3A_412 = tpu.memref_slice %arg7[%rem3A_124, %dma_wait3A_410, %dma_wait3A_411] : memref<2x8x125xi32, #tpu.memory_space<vmem>> -> memref<1x8x125xi32, #tpu.memory_space<vmem>>
      %dma_wait3A_413 = tpu.memref_squeeze %dma_wait3A_412 : memref<1x8x125xi32, #tpu.memory_space<vmem>> -> memref<8x125xi32, #tpu.memory_space<vmem>>
      %dma_wait3A_414 = arith.constant 0 : i32
      %dma_wait3A_415 = tpu.memref_slice %dma_wait3A_413[%dma_wait3A_409, %dma_wait3A_414] : memref<8x125xi32, #tpu.memory_space<vmem>> -> memref<1x125xi32, #tpu.memory_space<vmem>>
      %dma_wait3A_416 = tpu.memref_squeeze %dma_wait3A_415 : memref<1x125xi32, #tpu.memory_space<vmem>> -> memref<125xi32, #tpu.memory_space<vmem>>
      %dma_wait3A_417 = arith.constant 0 : i32
      %dma_wait3A_418 = arith.constant 0 : i32
      %dma_wait3A_419 = tpu.memref_slice %arg11[%dma_wait3A_417, %dma_wait3A_418] : memref<10240x128xf32, #tpu.memory_space<vmem_shared>> -> memref<10240x128xf32, #tpu.memory_space<vmem_shared>>
      tpu.wait_indirect_dma semaphore(%arg16 : memref<!tpu.dma_semaphore, #tpu.memory_space<semaphore_mem>>) src(%arg10 : memref<125x128xf32, #tpu.memory_space<vmem>>) dst(%dma_wait3A_419 : memref<10240x128xf32, #tpu.memory_space<vmem_shared>>)
      %dma_start3A_420 = arith.constant 7 : i32
      %dma_start3A_421 = arith.constant 0 : i32
      %dma_start3A_422 = arith.constant 0 : i32
      %dma_start3A_423 = tpu.memref_slice %arg8[%rem3A_124, %dma_start3A_421, %dma_start3A_422] : memref<2x8x125xi32, #tpu.memory_space<vmem>> -> memref<1x8x125xi32, #tpu.memory_space<vmem>>
      %dma_start3A_424 = tpu.memref_squeeze %dma_start3A_423 : memref<1x8x125xi32, #tpu.memory_space<vmem>> -> memref<8x125xi32, #tpu.memory_space<vmem>>
      %dma_start3A_425 = arith.constant 0 : i32
      %dma_start3A_426 = tpu.memref_slice %dma_start3A_424[%dma_start3A_420, %dma_start3A_425] : memref<8x125xi32, #tpu.memory_space<vmem>> -> memref<1x125xi32, #tpu.memory_space<vmem>>
      %dma_start3A_427 = tpu.memref_squeeze %dma_start3A_426 : memref<1x125xi32, #tpu.memory_space<vmem>> -> memref<125xi32, #tpu.memory_space<vmem>>
      %dma_start3A_428 = arith.constant 0 : i32
      %dma_start3A_429 = arith.constant 0 : i32
      %dma_start3A_430 = tpu.memref_slice %arg4[%dma_start3A_428, %dma_start3A_429] : memref<10000x128xf32, #tpu.memory_space<hbm>> -> memref<10000x128xf32, #tpu.memory_space<hbm>>
      tpu.enqueue_indirect_dma source(%dma_start3A_430 : memref<10000x128xf32, #tpu.memory_space<hbm>>) target(%arg10 : memref<125x128xf32, #tpu.memory_space<vmem>>) offsets(%dma_start3A_427 : memref<125xi32, #tpu.memory_space<vmem>>) semaphore(%arg14 : memref<!tpu.dma_semaphore, #tpu.memory_space<semaphore_mem>>)
      %dma_wait3A_431 = arith.constant 7 : i32
      %dma_wait3A_432 = arith.constant 0 : i32
      %dma_wait3A_433 = arith.constant 0 : i32
      %dma_wait3A_434 = tpu.memref_slice %arg8[%rem3A_124, %dma_wait3A_432, %dma_wait3A_433] : memref<2x8x125xi32, #tpu.memory_space<vmem>> -> memref<1x8x125xi32, #tpu.memory_space<vmem>>
      %dma_wait3A_435 = tpu.memref_squeeze %dma_wait3A_434 : memref<1x8x125xi32, #tpu.memory_space<vmem>> -> memref<8x125xi32, #tpu.memory_space<vmem>>
      %dma_wait3A_436 = arith.constant 0 : i32
      %dma_wait3A_437 = tpu.memref_slice %dma_wait3A_435[%dma_wait3A_431, %dma_wait3A_436] : memref<8x125xi32, #tpu.memory_space<vmem>> -> memref<1x125xi32, #tpu.memory_space<vmem>>
      %dma_wait3A_438 = tpu.memref_squeeze %dma_wait3A_437 : memref<1x125xi32, #tpu.memory_space<vmem>> -> memref<125xi32, #tpu.memory_space<vmem>>
      %dma_wait3A_439 = arith.constant 0 : i32
      %dma_wait3A_440 = arith.constant 0 : i32
      %dma_wait3A_441 = tpu.memref_slice %arg4[%dma_wait3A_439, %dma_wait3A_440] : memref<10000x128xf32, #tpu.memory_space<hbm>> -> memref<10000x128xf32, #tpu.memory_space<hbm>>
      tpu.wait_indirect_dma semaphore(%arg14 : memref<!tpu.dma_semaphore, #tpu.memory_space<semaphore_mem>>) src(%dma_wait3A_441 : memref<10000x128xf32, #tpu.memory_space<hbm>>) dst(%arg10 : memref<125x128xf32, #tpu.memory_space<vmem>>)
      %dma_start3A_442 = arith.constant 7 : i32
      %dma_start3A_443 = arith.constant 0 : i32
      %dma_start3A_444 = arith.constant 0 : i32
      %dma_start3A_445 = tpu.memref_slice %arg7[%rem3A_124, %dma_start3A_443, %dma_start3A_444] : memref<2x8x125xi32, #tpu.memory_space<vmem>> -> memref<1x8x125xi32, #tpu.memory_space<vmem>>
      %dma_start3A_446 = tpu.memref_squeeze %dma_start3A_445 : memref<1x8x125xi32, #tpu.memory_space<vmem>> -> memref<8x125xi32, #tpu.memory_space<vmem>>
      %dma_start3A_447 = arith.constant 0 : i32
      %dma_start3A_448 = tpu.memref_slice %dma_start3A_446[%dma_start3A_442, %dma_start3A_447] : memref<8x125xi32, #tpu.memory_space<vmem>> -> memref<1x125xi32, #tpu.memory_space<vmem>>
      %dma_start3A_449 = tpu.memref_squeeze %dma_start3A_448 : memref<1x125xi32, #tpu.memory_space<vmem>> -> memref<125xi32, #tpu.memory_space<vmem>>
      %dma_start3A_450 = arith.constant 0 : i32
      %dma_start3A_451 = arith.constant 0 : i32
      %dma_start3A_452 = tpu.memref_slice %arg11[%dma_start3A_450, %dma_start3A_451] : memref<10240x128xf32, #tpu.memory_space<vmem_shared>> -> memref<10240x128xf32, #tpu.memory_space<vmem_shared>>
      tpu.enqueue_indirect_dma source(%arg10 : memref<125x128xf32, #tpu.memory_space<vmem>>) target(%dma_start3A_452 : memref<10240x128xf32, #tpu.memory_space<vmem_shared>>) offsets(%dma_start3A_449 : memref<125xi32, #tpu.memory_space<vmem>>) semaphore(%arg16 : memref<!tpu.dma_semaphore, #tpu.memory_space<semaphore_mem>>) {add = true}
      %dma_wait3A_453 = arith.constant 6 : i32
      %dma_wait3A_454 = arith.constant 0 : i32
      %dma_wait3A_455 = arith.constant 0 : i32
      %dma_wait3A_456 = tpu.memref_slice %arg7[%rem3A_124, %dma_wait3A_454, %dma_wait3A_455] : memref<2x8x125xi32, #tpu.memory_space<vmem>> -> memref<1x8x125xi32, #tpu.memory_space<vmem>>
      %dma_wait3A_457 = tpu.memref_squeeze %dma_wait3A_456 : memref<1x8x125xi32, #tpu.memory_space<vmem>> -> memref<8x125xi32, #tpu.memory_space<vmem>>
      %dma_wait3A_458 = arith.constant 0 : i32
      %dma_wait3A_459 = tpu.memref_slice %dma_wait3A_457[%dma_wait3A_453, %dma_wait3A_458] : memref<8x125xi32, #tpu.memory_space<vmem>> -> memref<1x125xi32, #tpu.memory_space<vmem>>
      %dma_wait3A_460 = tpu.memref_squeeze %dma_wait3A_459 : memref<1x125xi32, #tpu.memory_space<vmem>> -> memref<125xi32, #tpu.memory_space<vmem>>
      %dma_wait3A_461 = arith.constant 0 : i32
      %dma_wait3A_462 = arith.constant 0 : i32
      %dma_wait3A_463 = tpu.memref_slice %arg11[%dma_wait3A_461, %dma_wait3A_462] : memref<10240x128xf32, #tpu.memory_space<vmem_shared>> -> memref<10240x128xf32, #tpu.memory_space<vmem_shared>>
      tpu.wait_indirect_dma semaphore(%arg15 : memref<!tpu.dma_semaphore, #tpu.memory_space<semaphore_mem>>) src(%arg9 : memref<125x128xf32, #tpu.memory_space<vmem>>) dst(%dma_wait3A_463 : memref<10240x128xf32, #tpu.memory_space<vmem_shared>>)
      %add3A_464 = arith.constant 1 : i32
      %add3A_465 = arith.addi %scan3A_123, %add3A_464 : i32
      %lt3A_466 = arith.constant 10 : i32
      %lt3A_467 = arith.cmpi slt, %add3A_465, %lt3A_466 : i32
      %convert_element_type3A_468 = arith.extui %lt3A_467 : i1 to i32
      %cond3A_469 = arith.constant 0 : i32
      %cond3A_470 = arith.cmpi ne, %convert_element_type3A_468, %cond3A_469 : i32
      scf.if %cond3A_470 {
        %add3A_471 = arith.constant 1 : i32
        %add3A_472 = arith.addi %scan3A_123, %add3A_471 : i32
        %mul3A_473 = arith.constant 8 : i32
        %mul3A_474 = arith.muli %add3A_472, %mul3A_473 : i32
        %dma_wait3A_475 = arith.constant 0 : i32
        %dma_wait3A_476 = arith.constant 0 : i32
        %dma_wait3A_477 = tpu.memref_slice %arg7[%sub3A_125, %dma_wait3A_475, %dma_wait3A_476] : memref<2x8x125xi32, #tpu.memory_space<vmem>> -> memref<1x8x125xi32, #tpu.memory_space<vmem>>
        %dma_wait3A_478 = tpu.memref_squeeze %dma_wait3A_477 : memref<1x8x125xi32, #tpu.memory_space<vmem>> -> memref<8x125xi32, #tpu.memory_space<vmem>>
        %dma_wait3A_479 = arith.constant 0 : i32
        %dma_wait3A_480 = arith.constant 0 : i32
        %dma_wait3A_481 = tpu.memref_slice %arg2[%add3A, %dma_wait3A_479, %dma_wait3A_480] : memref<32x80x125xi32, #tpu.memory_space<hbm>> -> memref<1x80x125xi32, #tpu.memory_space<hbm>>
        %dma_wait3A_482 = tpu.memref_squeeze %dma_wait3A_481 : memref<1x80x125xi32, #tpu.memory_space<hbm>> -> memref<80x125xi32, #tpu.memory_space<hbm>>
        %dma_wait3A_483 = arith.constant 0 : i32
        %dma_wait3A_484 = tpu.memref_slice %dma_wait3A_482[%mul3A_474, %dma_wait3A_483] : memref<80x125xi32, #tpu.memory_space<hbm>> -> memref<8x125xi32, #tpu.memory_space<hbm>>
        %dma_wait3A_485 = arith.constant 0 : i32
        %dma_wait3A_486 = arith.constant 0 : i32
        %dma_wait3A_487 = tpu.memref_slice %arg7[%sub3A_125, %dma_wait3A_485, %dma_wait3A_486] : memref<2x8x125xi32, #tpu.memory_space<vmem>> -> memref<1x8x125xi32, #tpu.memory_space<vmem>>
        %dma_wait3A_488 = tpu.memref_squeeze %dma_wait3A_487 : memref<1x8x125xi32, #tpu.memory_space<vmem>> -> memref<8x125xi32, #tpu.memory_space<vmem>>
        %dma_wait3A_489 = arith.constant 0 : i32
        %dma_wait3A_490 = arith.constant 0 : i32
        %dma_wait3A_491 = tpu.memref_slice %arg2[%add3A, %dma_wait3A_489, %dma_wait3A_490] : memref<32x80x125xi32, #tpu.memory_space<hbm>> -> memref<1x80x125xi32, #tpu.memory_space<hbm>>
        %dma_wait3A_492 = tpu.memref_squeeze %dma_wait3A_491 : memref<1x80x125xi32, #tpu.memory_space<hbm>> -> memref<80x125xi32, #tpu.memory_space<hbm>>
        %dma_wait3A_493 = arith.constant 0 : i32
        %dma_wait3A_494 = tpu.memref_slice %dma_wait3A_492[%mul3A_474, %dma_wait3A_493] : memref<80x125xi32, #tpu.memory_space<hbm>> -> memref<8x125xi32, #tpu.memory_space<hbm>>
        tpu.wait_dma2 semaphore(%arg12 : memref<!tpu.dma_semaphore, #tpu.memory_space<semaphore_mem>>) src(%dma_wait3A_494 : memref<8x125xi32, #tpu.memory_space<hbm>>) dst(%dma_wait3A_488 : memref<8x125xi32, #tpu.memory_space<vmem>>)
        %mul3A_495 = arith.constant 8 : i32
        %mul3A_496 = arith.muli %add3A_472, %mul3A_495 : i32
        %dma_wait3A_497 = arith.constant 0 : i32
        %dma_wait3A_498 = arith.constant 0 : i32
        %dma_wait3A_499 = tpu.memref_slice %arg8[%sub3A_125, %dma_wait3A_497, %dma_wait3A_498] : memref<2x8x125xi32, #tpu.memory_space<vmem>> -> memref<1x8x125xi32, #tpu.memory_space<vmem>>
        %dma_wait3A_500 = tpu.memref_squeeze %dma_wait3A_499 : memref<1x8x125xi32, #tpu.memory_space<vmem>> -> memref<8x125xi32, #tpu.memory_space<vmem>>
        %dma_wait3A_501 = arith.constant 0 : i32
        %dma_wait3A_502 = arith.constant 0 : i32
        %dma_wait3A_503 = tpu.memref_slice %arg3[%add3A, %dma_wait3A_501, %dma_wait3A_502] : memref<32x80x125xi32, #tpu.memory_space<hbm>> -> memref<1x80x125xi32, #tpu.memory_space<hbm>>
        %dma_wait3A_504 = tpu.memref_squeeze %dma_wait3A_503 : memref<1x80x125xi32, #tpu.memory_space<hbm>> -> memref<80x125xi32, #tpu.memory_space<hbm>>
        %dma_wait3A_505 = arith.constant 0 : i32
        %dma_wait3A_506 = tpu.memref_slice %dma_wait3A_504[%mul3A_496, %dma_wait3A_505] : memref<80x125xi32, #tpu.memory_space<hbm>> -> memref<8x125xi32, #tpu.memory_space<hbm>>
        %dma_wait3A_507 = arith.constant 0 : i32
        %dma_wait3A_508 = arith.constant 0 : i32
        %dma_wait3A_509 = tpu.memref_slice %arg8[%sub3A_125, %dma_wait3A_507, %dma_wait3A_508] : memref<2x8x125xi32, #tpu.memory_space<vmem>> -> memref<1x8x125xi32, #tpu.memory_space<vmem>>
        %dma_wait3A_510 = tpu.memref_squeeze %dma_wait3A_509 : memref<1x8x125xi32, #tpu.memory_space<vmem>> -> memref<8x125xi32, #tpu.memory_space<vmem>>
        %dma_wait3A_511 = arith.constant 0 : i32
        %dma_wait3A_512 = arith.constant 0 : i32
        %dma_wait3A_513 = tpu.memref_slice %arg3[%add3A, %dma_wait3A_511, %dma_wait3A_512] : memref<32x80x125xi32, #tpu.memory_space<hbm>> -> memref<1x80x125xi32, #tpu.memory_space<hbm>>
        %dma_wait3A_514 = tpu.memref_squeeze %dma_wait3A_513 : memref<1x80x125xi32, #tpu.memory_space<hbm>> -> memref<80x125xi32, #tpu.memory_space<hbm>>
        %dma_wait3A_515 = arith.constant 0 : i32
        %dma_wait3A_516 = tpu.memref_slice %dma_wait3A_514[%mul3A_496, %dma_wait3A_515] : memref<80x125xi32, #tpu.memory_space<hbm>> -> memref<8x125xi32, #tpu.memory_space<hbm>>
        tpu.wait_dma2 semaphore(%arg12 : memref<!tpu.dma_semaphore, #tpu.memory_space<semaphore_mem>>) src(%dma_wait3A_516 : memref<8x125xi32, #tpu.memory_space<hbm>>) dst(%dma_wait3A_510 : memref<8x125xi32, #tpu.memory_space<vmem>>)
        %dma_start3A_517 = arith.constant 0 : i32
        %dma_start3A_518 = arith.constant 0 : i32
        %dma_start3A_519 = arith.constant 0 : i32
        %dma_start3A_520 = tpu.memref_slice %arg8[%sub3A_125, %dma_start3A_518, %dma_start3A_519] : memref<2x8x125xi32, #tpu.memory_space<vmem>> -> memref<1x8x125xi32, #tpu.memory_space<vmem>>
        %dma_start3A_521 = tpu.memref_squeeze %dma_start3A_520 : memref<1x8x125xi32, #tpu.memory_space<vmem>> -> memref<8x125xi32, #tpu.memory_space<vmem>>
        %dma_start3A_522 = arith.constant 0 : i32
        %dma_start3A_523 = tpu.memref_slice %dma_start3A_521[%dma_start3A_517, %dma_start3A_522] : memref<8x125xi32, #tpu.memory_space<vmem>> -> memref<1x125xi32, #tpu.memory_space<vmem>>
        %dma_start3A_524 = tpu.memref_squeeze %dma_start3A_523 : memref<1x125xi32, #tpu.memory_space<vmem>> -> memref<125xi32, #tpu.memory_space<vmem>>
        %dma_start3A_525 = arith.constant 0 : i32
        %dma_start3A_526 = arith.constant 0 : i32
        %dma_start3A_527 = tpu.memref_slice %arg4[%dma_start3A_525, %dma_start3A_526] : memref<10000x128xf32, #tpu.memory_space<hbm>> -> memref<10000x128xf32, #tpu.memory_space<hbm>>
        tpu.enqueue_indirect_dma source(%dma_start3A_527 : memref<10000x128xf32, #tpu.memory_space<hbm>>) target(%arg9 : memref<125x128xf32, #tpu.memory_space<vmem>>) offsets(%dma_start3A_524 : memref<125xi32, #tpu.memory_space<vmem>>) semaphore(%arg13 : memref<!tpu.dma_semaphore, #tpu.memory_space<semaphore_mem>>)
      } else {
      }
    }
    %scan3A_109 = arith.constant 10 : i32
    %dma_wait3A_110 = arith.constant 1 : i32
    %dma_wait3A_111 = arith.constant 7 : i32
    %dma_wait3A_112 = arith.constant 0 : i32
    %dma_wait3A_113 = arith.constant 0 : i32
    %dma_wait3A_114 = tpu.memref_slice %arg7[%dma_wait3A_110, %dma_wait3A_112, %dma_wait3A_113] : memref<2x8x125xi32, #tpu.memory_space<vmem>> -> memref<1x8x125xi32, #tpu.memory_space<vmem>>
    %dma_wait3A_115 = tpu.memref_squeeze %dma_wait3A_114 : memref<1x8x125xi32, #tpu.memory_space<vmem>> -> memref<8x125xi32, #tpu.memory_space<vmem>>
    %dma_wait3A_116 = arith.constant 0 : i32
    %dma_wait3A_117 = tpu.memref_slice %dma_wait3A_115[%dma_wait3A_111, %dma_wait3A_116] : memref<8x125xi32, #tpu.memory_space<vmem>> -> memref<1x125xi32, #tpu.memory_space<vmem>>
    %dma_wait3A_118 = tpu.memref_squeeze %dma_wait3A_117 : memref<1x125xi32, #tpu.memory_space<vmem>> -> memref<125xi32, #tpu.memory_space<vmem>>
    %dma_wait3A_119 = arith.constant 0 : i32
    %dma_wait3A_120 = arith.constant 0 : i32
    %dma_wait3A_121 = tpu.memref_slice %arg11[%dma_wait3A_119, %dma_wait3A_120] : memref<10240x128xf32, #tpu.memory_space<vmem_shared>> -> memref<10240x128xf32, #tpu.memory_space<vmem_shared>>
    tpu.wait_indirect_dma semaphore(%arg16 : memref<!tpu.dma_semaphore, #tpu.memory_space<semaphore_mem>>) src(%arg10 : memref<125x128xf32, #tpu.memory_space<vmem>>) dst(%dma_wait3A_121 : memref<10240x128xf32, #tpu.memory_space<vmem_shared>>)
    %barrier3A_122 = arith.constant 0 : index
    tpu.barrier barrier_id(%barrier3A_122)
    "tpu.region"() ({
      %run_scoped3A = tpu.sem_alloc : memref<!tpu.dma_semaphore, #tpu.memory_space<semaphore_mem>>
      %dma_start3A_123 = arith.constant 0 : i32
      %dma_start3A_124 = arith.constant 0 : i32
      %dma_start3A_125 = tpu.memref_slice %arg6[%arg0, %dma_start3A_123, %dma_start3A_124] : memref<2x10240x128xf32, #tpu.memory_space<hbm>> -> memref<1x10240x128xf32, #tpu.memory_space<hbm>>
      %dma_start3A_126 = tpu.memref_squeeze %dma_start3A_125 : memref<1x10240x128xf32, #tpu.memory_space<hbm>> -> memref<10240x128xf32, #tpu.memory_space<hbm>>
      %dma_start3A_127 = arith.constant 0 : i32
      %dma_start3A_128 = tpu.memref_slice %dma_start3A_126[%mul3A_2, %dma_start3A_127] : memref<10240x128xf32, #tpu.memory_space<hbm>> -> memref<640x128xf32, #tpu.memory_space<hbm>>
      %dma_start3A_129 = arith.constant 0 : i32
      %dma_start3A_130 = tpu.memref_slice %arg11[%mul3A_2, %dma_start3A_129] : memref<10240x128xf32, #tpu.memory_space<vmem_shared>> -> memref<640x128xf32, #tpu.memory_space<vmem_shared>>
      tpu.enqueue_dma source(%dma_start3A_130 : memref<640x128xf32, #tpu.memory_space<vmem_shared>>) target(%dma_start3A_128 : memref<640x128xf32, #tpu.memory_space<hbm>>) target_semaphore(%run_scoped3A : memref<!tpu.dma_semaphore, #tpu.memory_space<semaphore_mem>>)
      %dma_wait3A_131 = arith.constant 0 : i32
      %dma_wait3A_132 = arith.constant 0 : i32
      %dma_wait3A_133 = tpu.memref_slice %arg6[%arg0, %dma_wait3A_131, %dma_wait3A_132] : memref<2x10240x128xf32, #tpu.memory_space<hbm>> -> memref<1x10240x128xf32, #tpu.memory_space<hbm>>
      %dma_wait3A_134 = tpu.memref_squeeze %dma_wait3A_133 : memref<1x10240x128xf32, #tpu.memory_space<hbm>> -> memref<10240x128xf32, #tpu.memory_space<hbm>>
      %dma_wait3A_135 = arith.constant 0 : i32
      %dma_wait3A_136 = tpu.memref_slice %dma_wait3A_134[%mul3A_2, %dma_wait3A_135] : memref<10240x128xf32, #tpu.memory_space<hbm>> -> memref<640x128xf32, #tpu.memory_space<hbm>>
      %dma_wait3A_137 = arith.constant 0 : i32
      %dma_wait3A_138 = tpu.memref_slice %arg11[%mul3A_2, %dma_wait3A_137] : memref<10240x128xf32, #tpu.memory_space<vmem_shared>> -> memref<640x128xf32, #tpu.memory_space<vmem_shared>>
      tpu.wait_dma2 semaphore(%run_scoped3A : memref<!tpu.dma_semaphore, #tpu.memory_space<semaphore_mem>>) src(%dma_wait3A_138 : memref<640x128xf32, #tpu.memory_space<vmem_shared>>) dst(%dma_wait3A_136 : memref<640x128xf32, #tpu.memory_space<hbm>>)
      tpu.yield
    }) : () -> ()
    return
  }
}

module attributes {stable_mosaic.version = 14 : i64} {
  func.func @_mm_body(%arg0: i32, %arg1: memref<1000x128xf32, #tpu.memory_space<vmem>>, %arg2: memref<128x128xf32, #tpu.memory_space<vmem>>, %arg3: memref<1x128xf32, #tpu.memory_space<vmem>>, %arg4: memref<1000x128xf32, #tpu.memory_space<vmem>>) attributes {dimension_semantics = [#tpu.dimension_semantics<arbitrary>], iteration_bounds = array<i64: 10>, scalar_prefetch = 0 : i64, scratch_operands = 0 : i64, tpu.core_type = #tpu.core_type<tc>, window_params = [{transform_indices = @transform_0, window_bounds = array<i64: 1000, 128>}, {pipeline_mode = #tpu.pipeline_mode<synchronous>, transform_indices = @transform_1, window_bounds = array<i64: 128, 128>}, {pipeline_mode = #tpu.pipeline_mode<synchronous>, transform_indices = @transform_2, window_bounds = array<i64: 1, 128>}, {transform_indices = @transform_3, window_bounds = array<i64: 1000, 128>}]} {
    %get3A = arith.constant 0 : index
    %get3A_0 = arith.constant 0 : index
    %get3A_1 = vector.load %arg1[%get3A, %get3A_0] : memref<1000x128xf32, #tpu.memory_space<vmem>>, vector<1000x128xf32>
    %get3A_2 = arith.constant 0 : index
    %get3A_3 = arith.constant 0 : index
    %get3A_4 = vector.load %arg2[%get3A_2, %get3A_3] : memref<128x128xf32, #tpu.memory_space<vmem>>, vector<128x128xf32>
    %dot_general3A = arith.constant dense<0.000000e+00> : vector<1000x128xf32>
    %dot_general3A_5 = tpu.matmul %get3A_1, %get3A_4, %dot_general3A {dimension_numbers = #tpu.dot_dimension_numbers<[1], [0], [0], [1], [0, 0, 1, 1], [], []>, transpose_lhs_hint = false} : vector<1000x128xf32>, vector<128x128xf32>, vector<1000x128xf32> -> vector<1000x128xf32>
    %get3A_6 = arith.constant 0 : index
    %get3A_7 = arith.constant 0 : index
    %get3A_8 = vector.load %arg3[%get3A_6, %get3A_7] : memref<1x128xf32, #tpu.memory_space<vmem>>, vector<1x128xf32>
    %add3A = vector.broadcast %get3A_8 : vector<1x128xf32> to vector<1000x128xf32>
    %add3A_9 = arith.addf %dot_general3A_5, %add3A : vector<1000x128xf32>
    %swap3A = arith.constant 0 : index
    %swap3A_10 = arith.constant 0 : index
    %swap3A_11 = vector.load %arg4[%swap3A, %swap3A_10] : memref<1000x128xf32, #tpu.memory_space<vmem>>, vector<1000x128xf32>
    tpu.vector_store %arg4[%swap3A, %swap3A_10], %add3A_9 {strides = array<i32>} : memref<1000x128xf32, #tpu.memory_space<vmem>>, vector<1000x128xf32>,
    return
  }
  func.func @transform_0(%arg0: i32) -> (i32, i32) {
    %c0_i32 = arith.constant 0 : i32
    %c0_i32_0 = arith.constant 0 : i32
    return %arg0, %c0_i32 : i32, i32
  }
  func.func @transform_1(%arg0: i32) -> (i32, i32) {
    %c0_i32 = arith.constant 0 : i32
    %c0_i32_0 = arith.constant 0 : i32
    %c0_i32_1 = arith.constant 0 : i32
    return %c0_i32, %c0_i32_0 : i32, i32
  }
  func.func @transform_2(%arg0: i32) -> (i32, i32) {
    %c0_i32 = arith.constant 0 : i32
    %c0_i32_0 = arith.constant 0 : i32
    %c0_i32_1 = arith.constant 0 : i32
    return %c0_i32, %c0_i32_0 : i32, i32
  }
  func.func @transform_3(%arg0: i32) -> (i32, i32) {
    %c0_i32 = arith.constant 0 : i32
    %c0_i32_0 = arith.constant 0 : i32
    return %arg0, %c0_i32 : i32, i32
  }
}

module attributes {stable_mosaic.version = 14 : i64} {
  func.func @_add_body(%arg0: i32, %arg1: memref<1000x128xf32, #tpu.memory_space<vmem>>, %arg2: memref<1x1000x128xf32, #tpu.memory_space<vmem>>, %arg3: memref<1x1000x128xf32, #tpu.memory_space<vmem>>, %arg4: memref<1000x128xf32, #tpu.memory_space<vmem>>) attributes {dimension_semantics = [#tpu.dimension_semantics<arbitrary>], iteration_bounds = array<i64: 10>, scalar_prefetch = 0 : i64, scratch_operands = 0 : i64, tpu.core_type = #tpu.core_type<tc>, window_params = [{transform_indices = @transform_0, window_bounds = array<i64: 1000, 128>}, {transform_indices = @transform_1, window_bounds = array<i64: 1, 1000, 128>}, {transform_indices = @transform_2, window_bounds = array<i64: 1, 1000, 128>}, {transform_indices = @transform_3, window_bounds = array<i64: 1000, 128>}]} {
    %get3A = arith.constant 0 : index
    %get3A_0 = arith.constant 0 : index
    %get3A_1 = vector.load %arg1[%get3A, %get3A_0] : memref<1000x128xf32, #tpu.memory_space<vmem>>, vector<1000x128xf32>
    %get3A_2 = arith.constant 0 : index
    %get3A_3 = arith.constant 0 : index
    %get3A_4 = arith.constant 0 : index
    %get3A_5 = vector.load %arg2[%get3A_2, %get3A_3, %get3A_4] : memref<1x1000x128xf32, #tpu.memory_space<vmem>>, vector<1x1000x128xf32>
    %get3A_6 = vector.shape_cast %get3A_5 : vector<1x1000x128xf32> to vector<1000x128xf32>
    %add3A = arith.addf %get3A_1, %get3A_6 : vector<1000x128xf32>
    %get3A_7 = arith.constant 0 : index
    %get3A_8 = arith.constant 0 : index
    %get3A_9 = arith.constant 0 : index
    %get3A_10 = vector.load %arg3[%get3A_7, %get3A_8, %get3A_9] : memref<1x1000x128xf32, #tpu.memory_space<vmem>>, vector<1x1000x128xf32>
    %get3A_11 = vector.shape_cast %get3A_10 : vector<1x1000x128xf32> to vector<1000x128xf32>
    %add3A_12 = arith.addf %add3A, %get3A_11 : vector<1000x128xf32>
    %swap3A = arith.constant 0 : index
    %swap3A_13 = arith.constant 0 : index
    %swap3A_14 = vector.load %arg4[%swap3A, %swap3A_13] : memref<1000x128xf32, #tpu.memory_space<vmem>>, vector<1000x128xf32>
    tpu.vector_store %arg4[%swap3A, %swap3A_13], %add3A_12 {strides = array<i32>} : memref<1000x128xf32, #tpu.memory_space<vmem>>, vector<1000x128xf32>,
    return
  }
  func.func @transform_0(%arg0: i32) -> (i32, i32) {
    %c0_i32 = arith.constant 0 : i32
    %c0_i32_0 = arith.constant 0 : i32
    return %arg0, %c0_i32 : i32, i32
  }
  func.func @transform_1(%arg0: i32) -> (i32, i32, i32) {
    %c0_i32 = arith.constant 0 : i32
    %c0_i32_0 = arith.constant 0 : i32
    %c0_i32_1 = arith.constant 0 : i32
    return %c0_i32, %arg0, %c0_i32_0 : i32, i32, i32
  }
  func.func @transform_2(%arg0: i32) -> (i32, i32, i32) {
    %c1_i32 = arith.constant 1 : i32
    %c0_i32 = arith.constant 0 : i32
    %c0_i32_0 = arith.constant 0 : i32
    return %c1_i32, %arg0, %c0_i32 : i32, i32, i32
  }
  func.func @transform_3(%arg0: i32) -> (i32, i32) {
    %c0_i32 = arith.constant 0 : i32
    %c0_i32_0 = arith.constant 0 : i32
    return %arg0, %c0_i32 : i32, i32
  }
}

</mosaic_0001>

<sc_bundles>
// kernel: kernel.5.cloned.1.call-start
scs
__scs_entry_jumppad:
0x0: {  	(pc) =	sbr.rel $0x88, $3  }
0x1: {  	(tag) =	ssettag $0x0;
	lr =	simm.s32 $0x1  }
0x2: {  	[smem:$0x3F9D] =	sst lr;
	_ =	strace $0xD0000000  }
0x3: {  	_ = 	snop  }
0x4: {  	_ = 	snop  }
0x5: {  	_ = 	snop  }
0x6: {  	_ = 	snop  }
0x7: {  	_ = 	snop  }
__scs_overlays_trampoline_lowered:
0x8: {  	[smem:$0x3FAC] =	sst s0  }
0x9: {  	[smem:$0x3FAD] =	sst s1  }
0xa: {  	[smem:$0x3FAE] =	sst s2  }
0xb: {  	[smem:$0x3FAF] =	sst s3  }
0xc: {  	[smem:$0x3FB0] =	sst s4  }
0xd: {  	[smem:$0x3FB1] =	sst s5  }
0xe: {  	[smem:$0x3FB2] =	sst s6  }
0xf: {  	[smem:$0x3FB3] =	sst s7  }
0x10: {  	[smem:$0x3FB4] =	sst s8  }
0x11: {  	[smem:$0x3FB5] =	sst s9;
	s0 =	simm.s32 @!p0 $0x0  }
0x12: {  	s1 =	sld [smem:$0x3F9B];
	s0 =	simm.s32 @p0 $0x1  }
0x13: {  	[smem:$0x3FB6] =	sst s0;
	s0 =	simm.s32 @!p1 $0x0  }
0x14: {  	s2 =	sld [smem:$0x3F9A];
	s0 =	simm.s32 @p1 $0x1  }
0x15: {  	[smem:$0x3FB7] =	sst s0;
	s0 =	simm.s32 @!p2 $0x0  }
0x16: {  	s3 =	sld [smem:$0x3FDB];
	s0 =	simm.s32 @p2 $0x1  }
0x17: {  	s4 =	simm.s32 $0x1BF5;
	[smem:$0x3FB9] =	sst s0  }
0x18: {  	s0 =	sld [smem:$0x3F9C];
	_ =	swait.ge [sflag:s4], $0x0  }
0x19: {  	s7 =	sld [smem:$0x3F9D]  }
0x1a: {  	s8 =	sadd.s32 $0xFFFFE003, lr  }
0x1b: {  	s9 =	sadd.s32 $0xFFFFFEF7, lr;
	s5 =	simm.s32 $0xFFFFFFFF;
	p2 =	slt.u32 s8, $0xFFFFF086  }
0x1c: {  	p1 =	slt.u32 s9, $0xF7A;
	s5 =	simm.s32 @!p2 $0x0  }
0x1d: {  	s5 =	simm.s32 @p1 $0x1;
	p0 =	seq.s32 s7, s2  }
0x1e: {  	s7 =	smul.u32 @!p0 $0xF7A, s2;
	p2 =	seq.s32 @!p0 s5, $0x0  }
0x1f: {  	s9 =	smul.u32 $0xF7A, s1;
	s8 =	simm.s32 @!p0 $0x1BF5;
	p2 =	por !p2, p0  }
0x20: {  	[sflag:s8] =	ssyncset.s32 @!p0 $0xFFFFF086;
	s6 =	sadd.s32 @!p0 s3, s7;
	s7 =	simm.s32 @!p0 $0x108  }
0x21: {  	s3 =	sadd.s32 s3, s9;
	s6 =	sadd.s32 @!p0 $0x88, s6;
	s7 =	simm.s32 @p2 $0x1082  }
0x22: {  	[simem:s7], [sflag:s8] =	dma.local @!p0 [hbm:s6], $0xF7A  }
0x23: {  	s9 =	sor.u32 $0xD0000000, s2;
	s6 =	simm.s32 $0x108;
	_ =	swait.ge @!p0 [sflag:s8], $0x0  }
0x24: {  	s3 =	sadd.s32 $0x88, s3;
	s6 =	simm.s32 @!p1 $0x1082;
	[sflag:s4] =	ssyncset.s32 $0xFFFFF086  }
0x25: {  	[simem:s6], [sflag:s4] =	dma.local [hbm:s3], $0xF7A  }
0x26: {  	[smem:$0x3F9D] =	sst s1;
	(tag) =	ssettag s2;
	_ =	strace s9  }
0x27: {  	s1 =	sld [smem:$0x3FAD]  }
0x28: {  	s2 =	sld [smem:$0x3FAE]  }
0x29: {  	s4 =	sld [smem:$0x3FB0]  }
0x2a: {  	p0 =	seq.s32 s5, $0x0;
	s5 =	sld [smem:$0x3FB1]  }
0x2b: {  	s6 =	sld [smem:$0x3FB2]  }
0x2c: {  	s7 =	sld [smem:$0x3FB3]  }
0x2d: {  	s3 =	simm.s32 $0x108;
	s8 =	sld [smem:$0x3FB4]  }
0x2e: {  	s3 =	simm.s32 @!p0 $0x1082;
	s9 =	sld [smem:$0x3FB5]  }
0x2f: {  	lr =	sadd.s32 s0, s3;
	s0 =	sld [smem:$0x3FAC]  }
0x30: {  	s3 =	sld [smem:$0x3FAF]  }
0x31: {  	[smem:$0x3FB8] =	sst s10  }
0x32: {  	s10 =	sld [smem:$0x3FB6];
	_ =	sdelay $0x3  }
0x33: {  	p0 =	seq.s32 s10, $0x1;
	s10 =	sld [smem:$0x3FB8];
	_ =	sdelay $0x3  }
0x34: {  	[smem:$0x3FB8] =	sst s10  }
0x35: {  	s10 =	sld [smem:$0x3FB7];
	_ =	sdelay $0x3  }
0x36: {  	p1 =	seq.s32 s10, $0x1;
	s10 =	sld [smem:$0x3FB8];
	_ =	sdelay $0x3  }
0x37: {  	[smem:$0x3FB8] =	sst s10  }
0x38: {  	s10 =	sld [smem:$0x3FB9]  }
0x39: {  	_ = 	snop;
	(pc) =	sbr.ind lr, $3  }
0x3a: {  	_ = 	snop  }
0x3b: {  	_ = 	snop  }
0x3c: {  	p2 =	seq.s32 s10, $0x1;
	s10 =	sld [smem:$0x3FB8]  }
0x3d: {  	_ =	shalt  }
0x3e: {  	_ =	shalt  }
0x3f: {  	_ =	shalt  }
0x40: {  	_ =	shalt  }
0x41: {  	_ =	shalt  }
0x42: {  	_ =	shalt  }
0x43: {  	_ =	shalt  }
0x44: {  	_ =	shalt  }
0x45: {  	_ =	shalt  }
0x46: {  	_ =	shalt  }
0x47: {  	_ =	shalt  }
0x48: {  	_ =	shalt  }
0x49: {  	_ =	shalt  }
0x4a: {  	_ =	shalt  }
0x4b: {  	_ =	shalt  }
0x4c: {  	_ =	shalt  }
0x4d: {  	_ =	shalt  }
0x4e: {  	_ =	shalt  }
0x4f: {  	_ =	shalt  }
0x50: {  	_ =	shalt  }
0x51: {  	_ =	shalt  }
0x52: {  	_ =	shalt  }
0x53: {  	_ =	shalt  }
0x54: {  	_ =	shalt  }
0x55: {  	_ =	shalt  }
0x56: {  	_ =	shalt  }
0x57: {  	_ =	shalt  }
0x58: {  	_ =	shalt  }
0x59: {  	_ =	shalt  }
0x5a: {  	_ =	shalt  }
0x5b: {  	_ =	shalt  }
0x5c: {  	_ =	shalt  }
0x5d: {  	_ =	shalt  }
0x5e: {  	_ =	shalt  }
0x5f: {  	_ =	shalt  }
0x60: {  	_ =	shalt  }
0x61: {  	_ =	shalt  }
0x62: {  	_ =	shalt  }
0x63: {  	_ =	shalt  }
0x64: {  	_ =	shalt  }
0x65: {  	_ =	shalt  }
0x66: {  	_ =	shalt  }
0x67: {  	_ =	shalt  }
0x68: {  	_ =	shalt  }
0x69: {  	_ =	shalt  }
0x6a: {  	_ =	shalt  }
0x6b: {  	_ =	shalt  }
0x6c: {  	_ =	shalt  }
0x6d: {  	_ =	shalt  }
0x6e: {  	_ =	shalt  }
0x6f: {  	_ =	shalt  }
0x70: {  	_ =	shalt  }
0x71: {  	_ =	shalt  }
0x72: {  	_ =	shalt  }
0x73: {  	_ =	shalt  }
0x74: {  	_ =	shalt  }
0x75: {  	_ =	shalt  }
0x76: {  	_ =	shalt  }
0x77: {  	_ =	shalt  }
0x78: {  	_ =	shalt  }
0x79: {  	_ =	shalt  }
0x7a: {  	_ =	shalt  }
0x7b: {  	_ =	shalt  }
0x7c: {  	_ =	shalt  }
0x7d: {  	_ =	shalt  }
0x7e: {  	_ =	shalt  }
0x7f: {  	_ =	shalt  }
0x80: {  	_ =	shalt  }
0x81: {  	_ =	shalt  }
0x82: {  	_ =	shalt  }
0x83: {  	_ =	shalt  }
0x84: {  	_ =	shalt  }
0x85: {  	_ =	shalt  }
0x86: {  	_ =	shalt  }
0x87: {  	_ =	shalt  }
.Lfunc_end0:
.L_simem_size_0:
called_computation_lowered:
.L_overlay_start_0:
0x88: {  	s2 =	sld [smem:$0x3FD9]  }
0x89: {  	s3 =	sld [smem:$0x3FFE];
	_ =	sdelay $0x1  }
0x8a: {  	s1 =	srdreg.scid  }
0x8b: {  	s0 =	sand.u32 $0x1, s1  }
0x8c: {  	s17 =	sshll.u32 s0, $0xA;
	s2 =	sadd.s32 s3, s2  }
0x8d: {  	s2 =	sadd.s32 s2, s17  }
0x8e: {  	[smem:$0x3FC4] =	sst s2  }
0x8f: {  	_ = 	snop  }
0x90: {  	s2 =	sld [smem:$0x3FD0];
	(tm) =	ssettm $0x1  }
0x91: {  	s18 =	sld [smem:$0x3FFB];
	_ =	sdelay $0x3  }
0x92: {  	_ =	strace s18  }
0x93: {  	s3 =	sld [smem:$0x3FFC];
	_ =	sdelay $0x3  }
0x94: {  	_ =	strace s3  }
0x95: {  	s3 =	sld [smem:$0x3FFD];
	_ =	sdelay $0x3  }
0x96: {  	_ =	strace s3  }
0x97: {  	_ =	strace $0x8FFFFFFF  }
0x98: {  	s19 =	sld [smem:$0x3FDB];
	_ =	sdelay $0x1  }
0x99: {  	s4 =	simm.s32 $_scs_section_size  }
0x9a: {  	s5 =	simm.s32 $_size__tile_overlayer_lowered;
	s6 =	simm.s32 $_tile_overlayer_lowered  }
0x9b: {  	s22 =	simm.s32 $0x1BFF;
	s21 =	sshll.u32 s6, $0x1;
	s3 =	sadd.s32 s4, s19  }
0x9c: {  	s7 =	simm.s32 $0x0;
	s20 =	sshll.u32 s5, $0x1;
	s5 =	sadd.s32 s21, s3  }
0x9d: {  	[timem:s7], [sflag:s22] =	dma.local [hbm:s5], s20  }
0x9e: {  	_ =	swait.ge [sflag:s22], s20  }
0x9f: {  	s4 =	ssub.s32 $0x0, s20;
	[sflag:s22] =	ssyncset.done $0x0  }
0xa0: {  	[sflag:s22] =	ssyncadd.s32 s4;
	_ =	sdelay $0x1  }
0xa1: {  	s23 =	simm.s32 $0x1B8B  }
0xa2: {  	_ =	swait.ge [sflag:s23], $0x1  }
0xa3: {  	[sflag:s23] =	ssyncset.done $0x0  }
0xa4: {  	s25 =	simm.s32 $0x1B8E;
	s24 =	sld [smem:$0x3FFE];
	[sflag:s23] =	ssyncadd.s32 $0xFFFFFFFF  }
0xa5: {  	s26 =	simm.s32 $execute0_lowered;
	[smem:$0x3FD2] =	sst s25  }
0xa6: {  	s5 =	sshll.u32 s26, $0x1;
	_ =	strace $0x80000046;
	[dreg:$0x1] =	wrdreg $0xFFFFFFFF  }
0xa7: {  	s28 =	simm.s32 $_size_execute0_lowered;
	s3 =	sadd.s32 s3, s5;
	[dreg:$0x0] =	wrdreg $0x0  }
0xa8: {  	s5 =	sshll.u32 s28, $0x1;
	[dreg:$0x2] =	wrdreg s3  }
0xa9: {  	[dreg:$0x3] =	wrdreg s5  }
0xaa: {  	[dreg:$0x4] =	wrdreg $0xC0  }
0xab: {  	_ =	task [dreg:s7], $0x5FFFF  }
0xac: {  	[dreg:$0x1] =	wrdreg $0xFFFFFFFF  }
0xad: {  	[dreg:$0x0] =	wrdreg $0x60  }
0xae: {  	[dreg:$0x2] =	wrdreg s24  }
0xaf: {  	[dreg:$0x3] =	wrdreg s2  }
0xb0: {  	[dreg:$0x4] =	wrdreg $0x90000  }
0xb1: {  	[dreg:$0x5] =	wrdreg $0x9  }
0xb2: {  	_ =	task.clear_ibuf [dreg:s7], $0x6FFFF;
	_ =	strace $0x90000046  }
0xb3: {  	s29 =	simm.s32 $0x9;
	_ =	strace $0x80000048  }
0xb4: {  	_ =	swait.ge [sflag:s29], $0x1  }
0xb5: {  	[sflag:s29] =	ssyncadd.s32 $0xFFFFFFFF  }
0xb6: {  	_ =	strace $0x90000048  }
0xb7: {  	_ =	sfence  }
0xb8: {  	s30 =	sld [smem:$0x0];
	_ =	sdelay $0x2  }
0xb9: {  	s31 =	sshll.u32 s1, $0xD;
	s1 =	sshrl.u32 s1, $0x2  }
0xba: {  	s3 =	sand.u32 $0x4000, s31;
	s1 =	sadd.s32 s1, s30  }
0xbb: {  	s0 =	sor.u32 s3, s0;
	s1 =	sshll.u32 s1, $0x11  }
0xbc: {  	s0 =	sor.u32 s1, s0  }
0xbd: {  	s0 =	sadd.s32 $0x8F2B, s0  }
0xbe: {  	[sflag:s0] =	ssyncadd.remote.s32 $0x1  }
0xbf: {  	_ =	sfence.sel $0xFFFF  }
0xc0: {  	[dreg:$0x0] =	wrdreg $0xFFFFFFFF;
	(pc) =	sbr.abs _section_cstart, $3  }
0xc1: {  	[dreg:$0x1] =	wrdreg $0xFFFFFFFF  }
0xc2: {  	_ =	task.clear_ibuf [dreg:s7], $0x2FFFF;
	_ =	strace $0x9FFFFFFF  }
0xc3: {  	(tm) =	ssettm $0x7FFFFFFF  }
tec
execute0_lowered:
.L_overlay_start_1:
0x0: {  	(tag) =	ssettag $0x1  }
0x1: {  	s6 =	rddreg [dreg:$0x0]  }
0x2: {  	s1 =	srdreg.scid;
	s2 =	rddreg [dreg:$0x1]  }
0x3: {  	s0 =	stileid.u32;
	s3 =	rddreg [dreg:$0x2];
	s4 =	simm.s32 $0x0  }
0x4: {  	s13 =	simm.s32 $0x1;
	s14 =	simm.s32 $0x7D;
	s15 =	simm.s32 $0x1000  }
0x5: {  	s18 =	simm.s32 $0x2;
	s19 =	simm.s32 $0x5000;
	s20 =	simm.s32 $0x3  }
0x6: {  	s21 =	simm.s32 $0x4;
	s22 =	simm.s32 $0x5;
	s7 =	sand.u32 $0x1, s1  }
0x7: {  	s26 =	sshll.u32 s0, $0x1;
	s1 =	rddreg [dreg:$0x3];
	s9 =	smul.u32 $0x50000, s0  }
0x8: {  	[smem:$0x7FF] =	sst s4;
	s31 =	sshll.u32 s0, $0x6;
	s24 =	smul.u32 $0x2800, s0  }
0x9: {  	s5 =	sor.u32 s7, s26;
	s8 =	smul.u32 $0x28000, s7;
	s7 =	ssub.s32 $0x2, s7  }
0xa: {  	_ =	strace $0x80000047;
	s5 =	smul.u32 $0x500, s5;
	s28 =	sshrl.u32 s7, $0x1  }
0xb: {  	s29 =	sshrl.u32 s9, $0x2;
	s11 =	sadd.s32 s8, s6;
	s30 =	ssub.s32 s7, s28  }
0xc: {  	s12 =	sadd.s32 s29, s3;
	s10 =	sadd.s32 s5, s6;
	s5 =	sadd.s32 $0x14800, s6  }
0xd: {  	s6 =	sor.u32 $0x1C06, s31;
	s23 =	sadd.s32 $0x17000, s11;
	s9 =	smax.u32 s30, $0x1  }
0xe: {  	s11 =	simm.s32 $0x6;
	s7 =	sadd.s32 $0xA800, s10;
	s8 =	sadd.s32 $0x800, s10  }
0xf: {  	s10 =	sshrl.u32 s12, $0x3;
	s12 =	simm.s32 $0x800;
	s23 =	sadd.s32 s24, s23  }
0x10: {  	s24 =	simm.s32 $0x0;
	s16 =	sadd.s32 $0x80, s8;
	s17 =	sadd.s32 $0x80, s7  }
.LBB2_1:
0x11: {  	[spmem:s10], [sflag:s6] =	dma.local [hbm:s5], $0x2800  }
0x12: {  	_ =	swait.ge [sflag:s11], $0x2800  }
0x13: {  	[sflag:s11] =	ssyncset.done $0x0  }
0x14: {  	[sflag:s11] =	ssyncadd.s32 $0xFFFFD800  }
0x15: {  	[tilespmem:s4], [sflag:$0x1] =	stream.linear.gather [hbm4b:s7+s4], $0x400, $0x38;
	[tilespmem:$0x1D000] =	vst v63  }
0x16: {  	_ = 	snop  }
0x17: {  	[tilespmem:s12], [sflag:$0x1] =	stream.linear.gather [hbm4b:s8+s4], $0x400, $0x38;
	[tilespmem:$0x1D000] =	vst v63  }
0x18: {  	_ =	swait.ge [sflag:s13], $0x400  }
0x19: {  	[sflag:s13] =	ssyncset.done $0x0  }
0x1a: {  	[sflag:s13] =	ssyncadd.s32 $0xFFFFFC00  }
0x1b: {  	_ =	swait.ge [sflag:s13], $0x400  }
0x1c: {  	[sflag:s13] =	ssyncset.done $0x0  }
0x1d: {  	s25 =	smov.u32 s17;
	[sflag:s13] =	ssyncadd.s32 $0xFFFFFC00  }
0x1e: {  	[tilespmem:s15], [sflag:$0x2] =	stream.indirect.gather [hbm4b:s2+s14], $0x80, s12, s14, $0xb8;
	[tilespmem:$0x1D000] =	vst v63  }
0x1f: {  	s26 =	smov.u32 s16;
	s28 =	simm.s32 $0x0;
	[bflag:$0x0] =	sbarrier.arrive $0xFFFF  }
.LBB2_2:
0x20: {  	_ =	swait.ge [sflag:s18], $0x3E80  }
0x21: {  	s30 =	sand.u32 $0x1, s28;
	p0 =	seq.s32 s28, $0x0;
	[sflag:s18] =	ssyncset.done $0x0  }
0x22: {  	s29 =	sshll.u32 s30, $0xA;
	s31 =	simm.s32 @!p0 $0x5;
	[sflag:s18] =	ssyncadd.s32 $0xFFFFC180  }
0x23: {  	[spmem:s3] =	stream.indirect.scatter.add.f32 [tilespmem:s15], [sflag:$0x4], $0x80, s29, s14, $0xb8;
	[tilespmem:$0x1D000] =	vst v63  }
0x24: {  	_ =	swait.ge @!p0 [sflag:s31], $0x3E80  }
0x25: {  	[sflag:s31] =	ssyncset.done @!p0 $0x0  }
0x26: {  	[sflag:s31] =	ssyncadd.s32 @!p0 $0xFFFFC180;
	s31 =	sadd.s32 $0x880, s29  }
0x27: {  	[tilespmem:s19], [sflag:$0x3] =	stream.indirect.gather [hbm4b:s2+s14], $0x80, s31, s14, $0xb8;
	[tilespmem:$0x1D000] =	vst v63  }
0x28: {  	_ =	swait.ge [sflag:s20], $0x3E80  }
0x29: {  	[sflag:s20] =	ssyncset.done $0x0  }
0x2a: {  	s31 =	sadd.s32 $0x80, s29;
	[sflag:s20] =	ssyncadd.s32 $0xFFFFC180  }
0x2b: {  	[spmem:s3] =	stream.indirect.scatter.add.f32 [tilespmem:s19], [sflag:$0x5], $0x80, s31, s14, $0xb8;
	[tilespmem:$0x1D000] =	vst v63  }
0x2c: {  	_ =	swait.ge [sflag:s21], $0x3E80  }
0x2d: {  	s30 =	sxor.u32 $0x1, s30;
	p0 =	seq.s32 s28, $0x9;
	[sflag:s21] =	ssyncset.done $0x0  }
0x2e: {  	s30 =	sshll.u32 @!p0 s30, $0xA;
	s31 =	simm.s32 @!p0 $0x0;
	[sflag:s21] =	ssyncadd.s32 $0xFFFFC180  }
0x2f: {  	[tilespmem:s30], [sflag:$0x1] =	stream.linear.gather @!p0 [hbm4b:s25+s31], $0x400, $0x38;
	[tilespmem:$0x1D000] =	vst v63  }
0x30: {  	s30 =	sor.u32 @!p0 $0x800, s30  }
0x31: {  	[tilespmem:s30], [sflag:$0x1] =	stream.linear.gather @!p0 [hbm4b:s26+s31], $0x400, $0x38;
	[tilespmem:$0x1D000] =	vst v63  }
0x32: {  	s31 =	sadd.s32 $0x900, s29  }
0x33: {  	[tilespmem:s15], [sflag:$0x2] =	stream.indirect.gather [hbm4b:s2+s14], $0x80, s31, s14, $0xb8;
	[tilespmem:$0x1D000] =	vst v63  }
0x34: {  	_ =	swait.ge [sflag:s18], $0x3E80  }
0x35: {  	[sflag:s18] =	ssyncset.done $0x0  }
0x36: {  	s31 =	sadd.s32 $0x100, s29;
	[sflag:s18] =	ssyncadd.s32 $0xFFFFC180  }
0x37: {  	[spmem:s3] =	stream.indirect.scatter.add.f32 [tilespmem:s15], [sflag:$0x4], $0x80, s31, s14, $0xb8;
	[tilespmem:$0x1D000] =	vst v63  }
0x38: {  	_ =	swait.ge [sflag:s22], $0x3E80  }
0x39: {  	[sflag:s22] =	ssyncset.done $0x0  }
0x3a: {  	s31 =	sadd.s32 $0x980, s29;
	[sflag:s22] =	ssyncadd.s32 $0xFFFFC180  }
0x3b: {  	[tilespmem:s19], [sflag:$0x3] =	stream.indirect.gather [hbm4b:s2+s14], $0x80, s31, s14, $0xb8;
	[tilespmem:$0x1D000] =	vst v63  }
0x3c: {  	_ =	swait.ge [sflag:s20], $0x3E80  }
0x3d: {  	[sflag:s20] =	ssyncset.done $0x0  }
0x3e: {  	s31 =	sadd.s32 $0x180, s29;
	[sflag:s20] =	ssyncadd.s32 $0xFFFFC180  }
0x3f: {  	[spmem:s3] =	stream.indirect.scatter.add.f32 [tilespmem:s19], [sflag:$0x5], $0x80, s31, s14, $0xb8;
	[tilespmem:$0x1D000] =	vst v63  }
0x40: {  	_ =	swait.ge [sflag:s21], $0x3E80  }
0x41: {  	[sflag:s21] =	ssyncset.done $0x0  }
0x42: {  	s31 =	sadd.s32 $0xA00, s29;
	[sflag:s21] =	ssyncadd.s32 $0xFFFFC180  }
0x43: {  	[tilespmem:s15], [sflag:$0x2] =	stream.indirect.gather [hbm4b:s2+s14], $0x80, s31, s14, $0xb8;
	[tilespmem:$0x1D000] =	vst v63  }
0x44: {  	_ =	swait.ge [sflag:s18], $0x3E80  }
0x45: {  	[sflag:s18] =	ssyncset.done $0x0  }
0x46: {  	s31 =	sadd.s32 $0x200, s29;
	[sflag:s18] =	ssyncadd.s32 $0xFFFFC180  }
0x47: {  	[spmem:s3] =	stream.indirect.scatter.add.f32 [tilespmem:s15], [sflag:$0x4], $0x80, s31, s14, $0xb8;
	[tilespmem:$0x1D000] =	vst v63  }
0x48: {  	_ =	swait.ge [sflag:s22], $0x3E80  }
0x49: {  	[sflag:s22] =	ssyncset.done $0x0  }
0x4a: {  	s31 =	sadd.s32 $0xA80, s29;
	[sflag:s22] =	ssyncadd.s32 $0xFFFFC180  }
0x4b: {  	[tilespmem:s19], [sflag:$0x3] =	stream.indirect.gather [hbm4b:s2+s14], $0x80, s31, s14, $0xb8;
	[tilespmem:$0x1D000] =	vst v63  }
0x4c: {  	_ =	swait.ge [sflag:s20], $0x3E80  }
0x4d: {  	[sflag:s20] =	ssyncset.done $0x0  }
0x4e: {  	s31 =	sadd.s32 $0x280, s29;
	[sflag:s20] =	ssyncadd.s32 $0xFFFFC180  }
0x4f: {  	[spmem:s3] =	stream.indirect.scatter.add.f32 [tilespmem:s19], [sflag:$0x5], $0x80, s31, s14, $0xb8;
	[tilespmem:$0x1D000] =	vst v63  }
0x50: {  	_ =	swait.ge [sflag:s21], $0x3E80  }
0x51: {  	[sflag:s21] =	ssyncset.done $0x0  }
0x52: {  	s31 =	sadd.s32 $0xB00, s29;
	[sflag:s21] =	ssyncadd.s32 $0xFFFFC180  }
0x53: {  	[tilespmem:s15], [sflag:$0x2] =	stream.indirect.gather [hbm4b:s2+s14], $0x80, s31, s14, $0xb8;
	[tilespmem:$0x1D000] =	vst v63  }
0x54: {  	_ =	swait.ge [sflag:s18], $0x3E80  }
0x55: {  	[sflag:s18] =	ssyncset.done $0x0  }
0x56: {  	s31 =	sadd.s32 $0x300, s29;
	[sflag:s18] =	ssyncadd.s32 $0xFFFFC180  }
0x57: {  	[spmem:s3] =	stream.indirect.scatter.add.f32 [tilespmem:s15], [sflag:$0x4], $0x80, s31, s14, $0xb8;
	[tilespmem:$0x1D000] =	vst v63  }
0x58: {  	_ =	swait.ge [sflag:s22], $0x3E80  }
0x59: {  	[sflag:s22] =	ssyncset.done $0x0  }
0x5a: {  	s31 =	sadd.s32 $0xB80, s29;
	[sflag:s22] =	ssyncadd.s32 $0xFFFFC180  }
0x5b: {  	[tilespmem:s19], [sflag:$0x3] =	stream.indirect.gather [hbm4b:s2+s14], $0x80, s31, s14, $0xb8;
	[tilespmem:$0x1D000] =	vst v63  }
0x5c: {  	_ =	swait.ge [sflag:s20], $0x3E80  }
0x5d: {  	[sflag:s20] =	ssyncset.done $0x0  }
0x5e: {  	s29 =	sadd.s32 $0x380, s29;
	[sflag:s20] =	ssyncadd.s32 $0xFFFFC180  }
0x5f: {  	[spmem:s3] =	stream.indirect.scatter.add.f32 [tilespmem:s19], [sflag:$0x5], $0x80, s29, s14, $0xb8;
	[tilespmem:$0x1D000] =	vst v63  }
0x60: {  	_ =	swait.ge [sflag:s21], $0x3E80  }
0x61: {  	[sflag:s21] =	ssyncset.done $0x0  }
0x62: {  	s28 =	sadd.s32 $0x1, s28;
	s29 =	simm.s32 @!p0 $0x1;
	[sflag:s21] =	ssyncadd.s32 $0xFFFFC180  }
0x63: {  	p1 =	sne.s32 @!p0 s28, $0xA;
	_ =	swait.ge @!p0 [sflag:s29], $0x400  }
0x64: {  	p1 =	por p0, !p1;
	[sflag:s29] =	ssyncset.done @!p0 $0x0  }
.Ltmp0:
0x65: {  	[sflag:s29] =	ssyncadd.s32 @!p0 $0xFFFFFC00;
	(pc) =	sbr.rel @!p1 .LBB2_2-.Ltmp0, $4  }
0x66: {  	_ =	swait.ge @!p0 [sflag:s29], $0x400  }
0x67: {  	s25 =	sadd.s32 @!p0 $0x80, s25;
	s26 =	sadd.s32 @!p0 $0x80, s26;
	[sflag:s29] =	ssyncset.done @!p0 $0x0  }
0x68: {  	s31 =	simm.s32 @!p0 $0x1000;
	[sflag:s29] =	ssyncadd.s32 @!p0 $0xFFFFFC00;
	s29 =	simm.s32 @!p0 $0x7D  }
0x69: {  	[tilespmem:s31], [sflag:$0x2] =	stream.indirect.gather @!p0 [hbm4b:s2+s29], $0x80, s30, s29, $0xb8;
	[tilespmem:$0x1D000] =	vst v63  }
0x6a: {  	_ =	swait.ge [sflag:s22], $0x3E80  }
0x6b: {  	s24 =	sadd.s32 $0x1, s24;
	[sflag:s22] =	ssyncset.done $0x0  }
0x6c: {  	p0 =	sne.s32 s24, s9;
	[sflag:s22] =	ssyncadd.s32 $0xFFFFC180  }
.Ltmp1:
0x6d: {  	[bflag:$0x0] =	sbarrier.arrive $0xFFFF;
	(pc) =	sbr.rel @p0 .LBB2_1-.Ltmp1, $4  }
0x6e: {  	[hbm:s23], [sflag:s6] =	dma.local [spmem:s10], $0x2800  }
0x6f: {  	_ =	swait.ge [sflag:s11], $0x2800  }
0x70: {  	[sflag:s11] =	ssyncset.done $0x0  }
0x71: {  	[sflag:s11] =	ssyncadd.s32 $0xFFFFD800  }
0x72: {  	_ =	sfence.sel $0x180000  }
0x73: {  	[bflag:$0x0] =	sbarrier.arrive $0xFFFF  }
0x74: {  	p0 =	sne.s32 s0, $0x0;
	_ =	strace $0x90000047  }
0x75: {  	s0 =	sadd.s32 @!p0 $0x100000, s1;
	[bflag:$0x2] =	sbarrier.arrive $0xFFFF  }
0x76: {  	[sflag:s0] =	ssyncadd.tile.s32 @!p0 $0x1;
	_ =	shalt  }
.Lfunc_end2:
_tile_overlayer_lowered:
.L_overlay_start_2:
0x77: {  	(tag) =	ssettag $0x2  }
0x78: {  	s0 =	rddreg [dreg:$0x0];
	s2 =	stileid.u32  }
0x79: {  	s1 =	rddreg [dreg:$0x1];
	p0 =	sne.s32 s2, $0x0  }
0x7a: {  	s3 =	rddreg [dreg:$0x2];
	[bflag:$0x3] =	sbarrier.arrive $0xFFFF;
	s2 =	simm.s32 @!p0 $0x1C06  }
0x7b: {  	[timem:s3], [sflag:s2] =	dma.local @!p0 [hbm:s0], s1  }
0x7c: {  	s0 =	simm.s32 @!p0 $0x6  }
0x7d: {  	_ =	swait.ge @!p0 [sflag:s0], s1  }
0x7e: {  	s1 =	ssub.s32 @!p0 $0x0, s1;
	[sflag:s0] =	ssyncset.done @!p0 $0x0  }
0x7f: {  	[sflag:s0] =	ssyncadd.s32 @!p0 s1  }
0x80: {  	[bflag:$0x3] =	sbarrier.arrive $0xFFFF  }
0x81: {  	_ =	shalt  }

</sc_bundles>
